<compile_context>
chip_gen: v7x
topology: tpu7x:2x2x1
jax: 0.10.2.dev20260603
libtpu: 0.0.44.dev20260713+nightly
codegen_flags: <defaults>
</compile_context>

<pallas_src>
import functools

import jax
import jax.numpy as jnp
from jax import lax
from jax.experimental import pallas as pl
from jax.experimental.pallas import tpu as pltpu
from jax.experimental.pallas import tpu_sc as plsc

_C = 16
_NBUF = 4


@functools.lru_cache(maxsize=None)
def _make_kernel(B: int, D: int, V: int):
    info = plsc.get_sparse_core_info()
    nc, ns = info.num_cores, info.num_subcores
    nw = nc * ns
    assert B % (8 * nw) == 0
    b_per_w = B // nw
    n_chunks = b_per_w // _C
    assert b_per_w % _C == 0 and n_chunks % _NBUF == 0 and n_chunks >= 2 * _NBUF
    n_groups = n_chunks // _NBUF
    mesh = plsc.VectorSubcoreMesh(core_axis_name="c", subcore_axis_name="s")

    @functools.partial(
        pl.kernel,
        mesh=mesh,
        out_type=jax.ShapeDtypeStruct((B, D), jnp.float32),
        scratch_types=[
            pltpu.VMEM((b_per_w,), jnp.int32),
            *([pltpu.VMEM((_C, D), jnp.float32)] * _NBUF),
            *([pltpu.SemaphoreType.DMA] * (2 * _NBUF)),
        ],
    )
    def k(table_hbm, idx_hbm, out_hbm, idx_v, *rest):
        bufs = rest[:_NBUF]
        gsem = rest[_NBUF:2 * _NBUF]
        osem = rest[2 * _NBUF:]
        wid = lax.axis_index("s") * nc + lax.axis_index("c")
        base = wid * b_per_w
        pltpu.sync_copy(idx_hbm.at[pl.ds(base, b_per_w)], idx_v)

        def start_gather(i, b):
            vec = idx_v[pl.ds(i * _C, _C)]
            vec = jnp.minimum(jnp.maximum(vec, 0), V - 1)
            pltpu.async_copy(table_hbm.at[vec], bufs[b], gsem[b])

        def wait_gather(b):
            pltpu.make_async_copy(
                table_hbm.at[idx_v.at[pl.ds(0, _C)]], bufs[b], gsem[b]
            ).wait()

        def start_out(i, b):
            pltpu.async_copy(bufs[b], out_hbm.at[pl.ds(base + i * _C, _C)], osem[b])

        def wait_out(b):
            pltpu.make_async_copy(
                bufs[b], out_hbm.at[pl.ds(base, _C)], osem[b]
            ).wait()

        start_gather(0, 0)
        start_gather(1, 1)
        start_gather(2, 2)
        wait_gather(0)
        start_out(0, 0)
        start_gather(3, 3)
        wait_gather(1)
        start_out(1, 1)

        def group(j, carry):
            for b in range(_NBUF):
                i = j * _NBUF + b
                bo = (b + 2) % _NBUF
                wait_out(b)
                start_gather(i, b)
                wait_gather(bo)
                start_out(i - 2, bo)
            return carry

        lax.fori_loop(1, n_groups, group, 0)

        last = n_chunks - 4
        wait_gather(2)
        start_out(last + 2, 2)
        wait_gather(3)
        start_out(last + 3, 3)
        for b in range(_NBUF):
            wait_out(b)

    return k


def kernel(pos_idxs, pos_emb):
    bsz, seq = pos_idxs.shape
    v, d = pos_emb.shape
    idx = pos_idxs.reshape(bsz * seq).astype(jnp.int32)
    out = _make_kernel(bsz * seq, d, v)(pos_emb, idx)
    return out.reshape(bsz, seq, d)

# --- scband reference (transcript-rebuilt; emitter-appended) ---
"""Pipeline reference for scband-learnable-pos-emb-49392123904745 (READ-ONLY COPY).

The authoritative reference and input builder live on the scoring server;
editing this copy changes nothing except your own understanding.
"""

import jax, jax.numpy as jnp
import numpy as np

MAX_LEN = 8192
D_MODEL = 1024
BATCH = 4
SEQ = 8192

def setup_inputs(seed: int = 0) -> dict:
    key = jax.random.key(seed)
    k_idx, k_emb = jax.random.split(key)
    pos_idxs = jax.random.randint(k_idx, (BATCH, SEQ), 0, MAX_LEN, dtype=jnp.int64 if jax.config.jax_enable_x64 else jnp.int32)
    pos_emb = jax.random.normal(k_emb, (MAX_LEN, D_MODEL), dtype=jnp.float32)
    return {"pos_idxs": pos_idxs, "pos_emb": pos_emb}

def reference(pos_idxs, pos_emb):
    # clamp_min(0).clamp_max(max_len-1)
    idx = jnp.clip(pos_idxs, 0, MAX_LEN - 1)
    # nn.Embedding lookup -> gather rows
    return jnp.take(pos_emb, idx, axis=0)

if __name__ == "__main__":
    import jax
    _d = setup_inputs()
    print(jax.jit(kernel)(*tuple(_d.values())))

</pallas_src>

<mosaic_0001>
#map = affine_map<(d0, d1) -> (0, 0)>
#map1 = affine_map<(d0, d1) -> (0)>
module attributes {stable_mosaic.version = 14 : i64} {
  func.func @k(%arg0: i32, %arg1: i32, %arg2: memref<8192x1024xf32, #tpu.memory_space<hbm>>, %arg3: memref<32768xi32, #tpu.memory_space<hbm>>, %arg4: memref<32768x1024xf32, #tpu.memory_space<hbm>>, %arg5: memref<1024xi32, #tpu.memory_space<vmem>>, %arg6: memref<16x1024xf32, #tpu.memory_space<vmem>>, %arg7: memref<16x1024xf32, #tpu.memory_space<vmem>>, %arg8: memref<16x1024xf32, #tpu.memory_space<vmem>>, %arg9: memref<16x1024xf32, #tpu.memory_space<vmem>>, %arg10: memref<!tpu.dma_semaphore, #tpu.memory_space<semaphore_mem>>, %arg11: memref<!tpu.dma_semaphore, #tpu.memory_space<semaphore_mem>>, %arg12: memref<!tpu.dma_semaphore, #tpu.memory_space<semaphore_mem>>, %arg13: memref<!tpu.dma_semaphore, #tpu.memory_space<semaphore_mem>>, %arg14: memref<!tpu.dma_semaphore, #tpu.memory_space<semaphore_mem>>, %arg15: memref<!tpu.dma_semaphore, #tpu.memory_space<semaphore_mem>>, %arg16: memref<!tpu.dma_semaphore, #tpu.memory_space<semaphore_mem>>, %arg17: memref<!tpu.dma_semaphore, #tpu.memory_space<semaphore_mem>>) attributes {dimension_semantics = [#tpu.dimension_semantics<core_parallel>, #tpu.dimension_semantics<subcore_parallel>], iteration_bounds = array<i64: 2, 16>, scalar_prefetch = 0 : i64, scratch_operands = 13 : i64, tpu.core_type = #tpu.core_type<sc_vector_subcore>, window_params = [{transform_indices = #map}, {transform_indices = #map1}, {transform_indices = #map}]} {
    %mul3A = arith.constant 2 : i32
    %mul3A_0 = arith.muli %arg1, %mul3A : i32
    %add3A = arith.addi %mul3A_0, %arg0 : i32
    %mul3A_1 = arith.constant 1024 : i32
    %mul3A_2 = arith.muli %add3A, %mul3A_1 : i32
    "tpu.region"() ({
      %run_scoped3A = tpu.sem_alloc : memref<!tpu.dma_semaphore, #tpu.memory_space<semaphore_mem>>
      %dma_start3A_111 = tpu.memref_slice %arg3[%mul3A_2] : memref<32768xi32, #tpu.memory_space<hbm>> -> memref<1024xi32, #tpu.memory_space<hbm>>
      %dma_start3A_112 = tpu.memref_slice %arg3[%mul3A_2] : memref<32768xi32, #tpu.memory_space<hbm>> -> memref<1024xi32, #tpu.memory_space<hbm>>
      tpu.enqueue_dma source(%dma_start3A_112 : memref<1024xi32, #tpu.memory_space<hbm>>) target(%arg5 : memref<1024xi32, #tpu.memory_space<vmem>>) target_semaphore(%run_scoped3A : memref<!tpu.dma_semaphore, #tpu.memory_space<semaphore_mem>>)
      %dma_wait3A_113 = tpu.memref_slice %arg3[%mul3A_2] : memref<32768xi32, #tpu.memory_space<hbm>> -> memref<1024xi32, #tpu.memory_space<hbm>>
      %dma_wait3A_114 = tpu.memref_slice %arg3[%mul3A_2] : memref<32768xi32, #tpu.memory_space<hbm>> -> memref<1024xi32, #tpu.memory_space<hbm>>
      tpu.wait_dma2 semaphore(%run_scoped3A : memref<!tpu.dma_semaphore, #tpu.memory_space<semaphore_mem>>) src(%dma_wait3A_114 : memref<1024xi32, #tpu.memory_space<hbm>>) dst(%arg5 : memref<1024xi32, #tpu.memory_space<vmem>>)
      tpu.yield
    }) : () -> ()
    %get3A = arith.constant 0 : index
    %get3A_3 = tpu.vector_load %arg5[%get3A] {strides = array<i32>} : memref<1024xi32, #tpu.memory_space<vmem>>, vector<16xi32>,
    %get3A_4 = vector.shape_cast %get3A_3 : vector<16xi32> to vector<16xi32>
    %max3A = arith.constant 0 : i32
    %max3A_5 = vector.broadcast %max3A : i32 to vector<16xi32>
    %max3A_6 = arith.maxsi %get3A_4, %max3A_5 : vector<16xi32>
    %min3A = arith.constant 8191 : i32
    %min3A_7 = vector.broadcast %min3A : i32 to vector<16xi32>
    %min3A_8 = arith.minsi %max3A_6, %min3A_7 : vector<16xi32>
    %dma_start3A = arith.constant 0 : i32
    %dma_start3A_9 = arith.constant 0 : i32
    %dma_start3A_10 = tpu.memref_slice %arg2[%dma_start3A, %dma_start3A_9] : memref<8192x1024xf32, #tpu.memory_space<hbm>> -> memref<8192x1024xf32, #tpu.memory_space<hbm>>
    tpu.enqueue_indirect_dma source(%dma_start3A_10 : memref<8192x1024xf32, #tpu.memory_space<hbm>>) target(%arg6 : memref<16x1024xf32, #tpu.memory_space<vmem>>) offsets(%min3A_8 : vector<16xi32>) semaphore(%arg10 : memref<!tpu.dma_semaphore, #tpu.memory_space<semaphore_mem>>)
    %get3A_11 = arith.constant 16 : index
    %get3A_12 = tpu.vector_load %arg5[%get3A_11] {strides = array<i32>} : memref<1024xi32, #tpu.memory_space<vmem>>, vector<16xi32>,
    %get3A_13 = vector.shape_cast %get3A_12 : vector<16xi32> to vector<16xi32>
    %max3A_14 = arith.constant 0 : i32
    %max3A_15 = vector.broadcast %max3A_14 : i32 to vector<16xi32>
    %max3A_16 = arith.maxsi %get3A_13, %max3A_15 : vector<16xi32>
    %min3A_17 = arith.constant 8191 : i32
    %min3A_18 = vector.broadcast %min3A_17 : i32 to vector<16xi32>
    %min3A_19 = arith.minsi %max3A_16, %min3A_18 : vector<16xi32>
    %dma_start3A_20 = arith.constant 0 : i32
    %dma_start3A_21 = arith.constant 0 : i32
    %dma_start3A_22 = tpu.memref_slice %arg2[%dma_start3A_20, %dma_start3A_21] : memref<8192x1024xf32, #tpu.memory_space<hbm>> -> memref<8192x1024xf32, #tpu.memory_space<hbm>>
    tpu.enqueue_indirect_dma source(%dma_start3A_22 : memref<8192x1024xf32, #tpu.memory_space<hbm>>) target(%arg7 : memref<16x1024xf32, #tpu.memory_space<vmem>>) offsets(%min3A_19 : vector<16xi32>) semaphore(%arg11 : memref<!tpu.dma_semaphore, #tpu.memory_space<semaphore_mem>>)
    %get3A_23 = arith.constant 32 : index
    %get3A_24 = tpu.vector_load %arg5[%get3A_23] {strides = array<i32>} : memref<1024xi32, #tpu.memory_space<vmem>>, vector<16xi32>,
    %get3A_25 = vector.shape_cast %get3A_24 : vector<16xi32> to vector<16xi32>
    %max3A_26 = arith.constant 0 : i32
    %max3A_27 = vector.broadcast %max3A_26 : i32 to vector<16xi32>
    %max3A_28 = arith.maxsi %get3A_25, %max3A_27 : vector<16xi32>
    %min3A_29 = arith.constant 8191 : i32
    %min3A_30 = vector.broadcast %min3A_29 : i32 to vector<16xi32>
    %min3A_31 = arith.minsi %max3A_28, %min3A_30 : vector<16xi32>
    %dma_start3A_32 = arith.constant 0 : i32
    %dma_start3A_33 = arith.constant 0 : i32
    %dma_start3A_34 = tpu.memref_slice %arg2[%dma_start3A_32, %dma_start3A_33] : memref<8192x1024xf32, #tpu.memory_space<hbm>> -> memref<8192x1024xf32, #tpu.memory_space<hbm>>
    tpu.enqueue_indirect_dma source(%dma_start3A_34 : memref<8192x1024xf32, #tpu.memory_space<hbm>>) target(%arg8 : memref<16x1024xf32, #tpu.memory_space<vmem>>) offsets(%min3A_31 : vector<16xi32>) semaphore(%arg12 : memref<!tpu.dma_semaphore, #tpu.memory_space<semaphore_mem>>)
    %dma_wait3A = arith.constant 0 : i32
    %dma_wait3A_35 = tpu.memref_slice %arg5[%dma_wait3A] : memref<1024xi32, #tpu.memory_space<vmem>> -> memref<16xi32, #tpu.memory_space<vmem>>
    %dma_wait3A_36 = arith.constant 0 : i32
    %dma_wait3A_37 = arith.constant 0 : i32
    %dma_wait3A_38 = tpu.memref_slice %arg2[%dma_wait3A_36, %dma_wait3A_37] : memref<8192x1024xf32, #tpu.memory_space<hbm>> -> memref<8192x1024xf32, #tpu.memory_space<hbm>>
    tpu.wait_indirect_dma semaphore(%arg10 : memref<!tpu.dma_semaphore, #tpu.memory_space<semaphore_mem>>) src(%dma_wait3A_38 : memref<8192x1024xf32, #tpu.memory_space<hbm>>) dst(%arg6 : memref<16x1024xf32, #tpu.memory_space<vmem>>)
    %add3A_39 = arith.constant 0 : i32
    %add3A_40 = arith.addi %mul3A_2, %add3A_39 : i32
    %dma_start3A_41 = arith.constant 0 : i32
    %dma_start3A_42 = tpu.memref_slice %arg4[%add3A_40, %dma_start3A_41] : memref<32768x1024xf32, #tpu.memory_space<hbm>> -> memref<16x1024xf32, #tpu.memory_space<hbm>>
    %dma_start3A_43 = arith.constant 0 : i32
    %dma_start3A_44 = tpu.memref_slice %arg4[%add3A_40, %dma_start3A_43] : memref<32768x1024xf32, #tpu.memory_space<hbm>> -> memref<16x1024xf32, #tpu.memory_space<hbm>>
    tpu.enqueue_dma source(%arg6 : memref<16x1024xf32, #tpu.memory_space<vmem>>) target(%dma_start3A_44 : memref<16x1024xf32, #tpu.memory_space<hbm>>) target_semaphore(%arg14 : memref<!tpu.dma_semaphore, #tpu.memory_space<semaphore_mem>>)
    %get3A_45 = arith.constant 48 : index
    %get3A_46 = tpu.vector_load %arg5[%get3A_45] {strides = array<i32>} : memref<1024xi32, #tpu.memory_space<vmem>>, vector<16xi32>,
    %get3A_47 = vector.shape_cast %get3A_46 : vector<16xi32> to vector<16xi32>
    %max3A_48 = arith.constant 0 : i32
    %max3A_49 = vector.broadcast %max3A_48 : i32 to vector<16xi32>
    %max3A_50 = arith.maxsi %get3A_47, %max3A_49 : vector<16xi32>
    %min3A_51 = arith.constant 8191 : i32
    %min3A_52 = vector.broadcast %min3A_51 : i32 to vector<16xi32>
    %min3A_53 = arith.minsi %max3A_50, %min3A_52 : vector<16xi32>
    %dma_start3A_54 = arith.constant 0 : i32
    %dma_start3A_55 = arith.constant 0 : i32
    %dma_start3A_56 = tpu.memref_slice %arg2[%dma_start3A_54, %dma_start3A_55] : memref<8192x1024xf32, #tpu.memory_space<hbm>> -> memref<8192x1024xf32, #tpu.memory_space<hbm>>
    tpu.enqueue_indirect_dma source(%dma_start3A_56 : memref<8192x1024xf32, #tpu.memory_space<hbm>>) target(%arg9 : memref<16x1024xf32, #tpu.memory_space<vmem>>) offsets(%min3A_53 : vector<16xi32>) semaphore(%arg13 : memref<!tpu.dma_semaphore, #tpu.memory_space<semaphore_mem>>)
    %dma_wait3A_57 = arith.constant 0 : i32
    %dma_wait3A_58 = tpu.memref_slice %arg5[%dma_wait3A_57] : memref<1024xi32, #tpu.memory_space<vmem>> -> memref<16xi32, #tpu.memory_space<vmem>>
    %dma_wait3A_59 = arith.constant 0 : i32
    %dma_wait3A_60 = arith.constant 0 : i32
    %dma_wait3A_61 = tpu.memref_slice %arg2[%dma_wait3A_59, %dma_wait3A_60] : memref<8192x1024xf32, #tpu.memory_space<hbm>> -> memref<8192x1024xf32, #tpu.memory_space<hbm>>
    tpu.wait_indirect_dma semaphore(%arg11 : memref<!tpu.dma_semaphore, #tpu.memory_space<semaphore_mem>>) src(%dma_wait3A_61 : memref<8192x1024xf32, #tpu.memory_space<hbm>>) dst(%arg7 : memref<16x1024xf32, #tpu.memory_space<vmem>>)
    %add3A_62 = arith.constant 16 : i32
    %add3A_63 = arith.addi %mul3A_2, %add3A_62 : i32
    %dma_start3A_64 = arith.constant 0 : i32
    %dma_start3A_65 = tpu.memref_slice %arg4[%add3A_63, %dma_start3A_64] : memref<32768x1024xf32, #tpu.memory_space<hbm>> -> memref<16x1024xf32, #tpu.memory_space<hbm>>
    %dma_start3A_66 = arith.constant 0 : i32
    %dma_start3A_67 = tpu.memref_slice %arg4[%add3A_63, %dma_start3A_66] : memref<32768x1024xf32, #tpu.memory_space<hbm>> -> memref<16x1024xf32, #tpu.memory_space<hbm>>
    tpu.enqueue_dma source(%arg7 : memref<16x1024xf32, #tpu.memory_space<vmem>>) target(%dma_start3A_67 : memref<16x1024xf32, #tpu.memory_space<hbm>>) target_semaphore(%arg15 : memref<!tpu.dma_semaphore, #tpu.memory_space<semaphore_mem>>)
    %scan3A = arith.constant 0 : i32
    %scan3A_68 = arith.constant 1 : i32
    %scan3A_69 = arith.constant 15 : i32
    %scan3A_70 = arith.addi %scan3A_68, %scan3A_69 : i32
    %scan3A_71 = arith.constant 1 : i32
    scf.for %scan3A_111 = %scan3A_68 to %scan3A_70 step %scan3A_71  : i32 {
      %mul3A_112 = arith.constant 4 : i32
      %mul3A_113 = arith.muli %scan3A_111, %mul3A_112 : i32
      %add3A_114 = arith.constant 0 : i32
      %add3A_115 = arith.addi %mul3A_113, %add3A_114 : i32
      %dma_wait3A_116 = arith.constant 0 : i32
      %dma_wait3A_117 = tpu.memref_slice %arg4[%mul3A_2, %dma_wait3A_116] : memref<32768x1024xf32, #tpu.memory_space<hbm>> -> memref<16x1024xf32, #tpu.memory_space<hbm>>
      %dma_wait3A_118 = arith.constant 0 : i32
      %dma_wait3A_119 = tpu.memref_slice %arg4[%mul3A_2, %dma_wait3A_118] : memref<32768x1024xf32, #tpu.memory_space<hbm>> -> memref<16x1024xf32, #tpu.memory_space<hbm>>
      tpu.wait_dma2 semaphore(%arg14 : memref<!tpu.dma_semaphore, #tpu.memory_space<semaphore_mem>>) src(%arg6 : memref<16x1024xf32, #tpu.memory_space<vmem>>) dst(%dma_wait3A_119 : memref<16x1024xf32, #tpu.memory_space<hbm>>)
      %mul3A_120 = arith.constant 16 : i32
      %mul3A_121 = arith.muli %add3A_115, %mul3A_120 : i32
      %get3A_122 = arith.index_cast %mul3A_121 : i32 to index
      %get3A_123 = tpu.vector_load %arg5[%get3A_122] {strides = array<i32>} : memref<1024xi32, #tpu.memory_space<vmem>>, vector<16xi32>,
      %get3A_124 = vector.shape_cast %get3A_123 : vector<16xi32> to vector<16xi32>
      %max3A_125 = arith.constant 0 : i32
      %max3A_126 = vector.broadcast %max3A_125 : i32 to vector<16xi32>
      %max3A_127 = arith.maxsi %get3A_124, %max3A_126 : vector<16xi32>
      %min3A_128 = arith.constant 8191 : i32
      %min3A_129 = vector.broadcast %min3A_128 : i32 to vector<16xi32>
      %min3A_130 = arith.minsi %max3A_127, %min3A_129 : vector<16xi32>
      %dma_start3A_131 = arith.constant 0 : i32
      %dma_start3A_132 = arith.constant 0 : i32
      %dma_start3A_133 = tpu.memref_slice %arg2[%dma_start3A_131, %dma_start3A_132] : memref<8192x1024xf32, #tpu.memory_space<hbm>> -> memref<8192x1024xf32, #tpu.memory_space<hbm>>
      tpu.enqueue_indirect_dma source(%dma_start3A_133 : memref<8192x1024xf32, #tpu.memory_space<hbm>>) target(%arg6 : memref<16x1024xf32, #tpu.memory_space<vmem>>) offsets(%min3A_130 : vector<16xi32>) semaphore(%arg10 : memref<!tpu.dma_semaphore, #tpu.memory_space<semaphore_mem>>)
      %dma_wait3A_134 = arith.constant 0 : i32
      %dma_wait3A_135 = tpu.memref_slice %arg5[%dma_wait3A_134] : memref<1024xi32, #tpu.memory_space<vmem>> -> memref<16xi32, #tpu.memory_space<vmem>>
      %dma_wait3A_136 = arith.constant 0 : i32
      %dma_wait3A_137 = arith.constant 0 : i32
      %dma_wait3A_138 = tpu.memref_slice %arg2[%dma_wait3A_136, %dma_wait3A_137] : memref<8192x1024xf32, #tpu.memory_space<hbm>> -> memref<8192x1024xf32, #tpu.memory_space<hbm>>
      tpu.wait_indirect_dma semaphore(%arg12 : memref<!tpu.dma_semaphore, #tpu.memory_space<semaphore_mem>>) src(%dma_wait3A_138 : memref<8192x1024xf32, #tpu.memory_space<hbm>>) dst(%arg8 : memref<16x1024xf32, #tpu.memory_space<vmem>>)
      %sub3A = arith.constant 2 : i32
      %sub3A_139 = arith.subi %add3A_115, %sub3A : i32
      %mul3A_140 = arith.constant 16 : i32
      %mul3A_141 = arith.muli %sub3A_139, %mul3A_140 : i32
      %add3A_142 = arith.addi %mul3A_2, %mul3A_141 : i32
      %dma_start3A_143 = arith.constant 0 : i32
      %dma_start3A_144 = tpu.memref_slice %arg4[%add3A_142, %dma_start3A_143] : memref<32768x1024xf32, #tpu.memory_space<hbm>> -> memref<16x1024xf32, #tpu.memory_space<hbm>>
      %dma_start3A_145 = arith.constant 0 : i32
      %dma_start3A_146 = tpu.memref_slice %arg4[%add3A_142, %dma_start3A_145] : memref<32768x1024xf32, #tpu.memory_space<hbm>> -> memref<16x1024xf32, #tpu.memory_space<hbm>>
      tpu.enqueue_dma source(%arg8 : memref<16x1024xf32, #tpu.memory_space<vmem>>) target(%dma_start3A_146 : memref<16x1024xf32, #tpu.memory_space<hbm>>) target_semaphore(%arg16 : memref<!tpu.dma_semaphore, #tpu.memory_space<semaphore_mem>>)
      %mul3A_147 = arith.constant 4 : i32
      %mul3A_148 = arith.muli %scan3A_111, %mul3A_147 : i32
      %add3A_149 = arith.constant 1 : i32
      %add3A_150 = arith.addi %mul3A_148, %add3A_149 : i32
      %dma_wait3A_151 = arith.constant 0 : i32
      %dma_wait3A_152 = tpu.memref_slice %arg4[%mul3A_2, %dma_wait3A_151] : memref<32768x1024xf32, #tpu.memory_space<hbm>> -> memref<16x1024xf32, #tpu.memory_space<hbm>>
      %dma_wait3A_153 = arith.constant 0 : i32
      %dma_wait3A_154 = tpu.memref_slice %arg4[%mul3A_2, %dma_wait3A_153] : memref<32768x1024xf32, #tpu.memory_space<hbm>> -> memref<16x1024xf32, #tpu.memory_space<hbm>>
      tpu.wait_dma2 semaphore(%arg15 : memref<!tpu.dma_semaphore, #tpu.memory_space<semaphore_mem>>) src(%arg7 : memref<16x1024xf32, #tpu.memory_space<vmem>>) dst(%dma_wait3A_154 : memref<16x1024xf32, #tpu.memory_space<hbm>>)
      %mul3A_155 = arith.constant 16 : i32
      %mul3A_156 = arith.muli %add3A_150, %mul3A_155 : i32
      %get3A_157 = arith.index_cast %mul3A_156 : i32 to index
      %get3A_158 = tpu.vector_load %arg5[%get3A_157] {strides = array<i32>} : memref<1024xi32, #tpu.memory_space<vmem>>, vector<16xi32>,
      %get3A_159 = vector.shape_cast %get3A_158 : vector<16xi32> to vector<16xi32>
      %max3A_160 = arith.constant 0 : i32
      %max3A_161 = vector.broadcast %max3A_160 : i32 to vector<16xi32>
      %max3A_162 = arith.maxsi %get3A_159, %max3A_161 : vector<16xi32>
      %min3A_163 = arith.constant 8191 : i32
      %min3A_164 = vector.broadcast %min3A_163 : i32 to vector<16xi32>
      %min3A_165 = arith.minsi %max3A_162, %min3A_164 : vector<16xi32>
      %dma_start3A_166 = arith.constant 0 : i32
      %dma_start3A_167 = arith.constant 0 : i32
      %dma_start3A_168 = tpu.memref_slice %arg2[%dma_start3A_166, %dma_start3A_167] : memref<8192x1024xf32, #tpu.memory_space<hbm>> -> memref<8192x1024xf32, #tpu.memory_space<hbm>>
      tpu.enqueue_indirect_dma source(%dma_start3A_168 : memref<8192x1024xf32, #tpu.memory_space<hbm>>) target(%arg7 : memref<16x1024xf32, #tpu.memory_space<vmem>>) offsets(%min3A_165 : vector<16xi32>) semaphore(%arg11 : memref<!tpu.dma_semaphore, #tpu.memory_space<semaphore_mem>>)
      %dma_wait3A_169 = arith.constant 0 : i32
      %dma_wait3A_170 = tpu.memref_slice %arg5[%dma_wait3A_169] : memref<1024xi32, #tpu.memory_space<vmem>> -> memref<16xi32, #tpu.memory_space<vmem>>
      %dma_wait3A_171 = arith.constant 0 : i32
      %dma_wait3A_172 = arith.constant 0 : i32
      %dma_wait3A_173 = tpu.memref_slice %arg2[%dma_wait3A_171, %dma_wait3A_172] : memref<8192x1024xf32, #tpu.memory_space<hbm>> -> memref<8192x1024xf32, #tpu.memory_space<hbm>>
      tpu.wait_indirect_dma semaphore(%arg13 : memref<!tpu.dma_semaphore, #tpu.memory_space<semaphore_mem>>) src(%dma_wait3A_173 : memref<8192x1024xf32, #tpu.memory_space<hbm>>) dst(%arg9 : memref<16x1024xf32, #tpu.memory_space<vmem>>)
      %sub3A_174 = arith.constant 2 : i32
      %sub3A_175 = arith.subi %add3A_150, %sub3A_174 : i32
      %mul3A_176 = arith.constant 16 : i32
      %mul3A_177 = arith.muli %sub3A_175, %mul3A_176 : i32
      %add3A_178 = arith.addi %mul3A_2, %mul3A_177 : i32
      %dma_start3A_179 = arith.constant 0 : i32
      %dma_start3A_180 = tpu.memref_slice %arg4[%add3A_178, %dma_start3A_179] : memref<32768x1024xf32, #tpu.memory_space<hbm>> -> memref<16x1024xf32, #tpu.memory_space<hbm>>
      %dma_start3A_181 = arith.constant 0 : i32
      %dma_start3A_182 = tpu.memref_slice %arg4[%add3A_178, %dma_start3A_181] : memref<32768x1024xf32, #tpu.memory_space<hbm>> -> memref<16x1024xf32, #tpu.memory_space<hbm>>
      tpu.enqueue_dma source(%arg9 : memref<16x1024xf32, #tpu.memory_space<vmem>>) target(%dma_start3A_182 : memref<16x1024xf32, #tpu.memory_space<hbm>>) target_semaphore(%arg17 : memref<!tpu.dma_semaphore, #tpu.memory_space<semaphore_mem>>)
      %mul3A_183 = arith.constant 4 : i32
      %mul3A_184 = arith.muli %scan3A_111, %mul3A_183 : i32
      %add3A_185 = arith.constant 2 : i32
      %add3A_186 = arith.addi %mul3A_184, %add3A_185 : i32
      %dma_wait3A_187 = arith.constant 0 : i32
      %dma_wait3A_188 = tpu.memref_slice %arg4[%mul3A_2, %dma_wait3A_187] : memref<32768x1024xf32, #tpu.memory_space<hbm>> -> memref<16x1024xf32, #tpu.memory_space<hbm>>
      %dma_wait3A_189 = arith.constant 0 : i32
      %dma_wait3A_190 = tpu.memref_slice %arg4[%mul3A_2, %dma_wait3A_189] : memref<32768x1024xf32, #tpu.memory_space<hbm>> -> memref<16x1024xf32, #tpu.memory_space<hbm>>
      tpu.wait_dma2 semaphore(%arg16 : memref<!tpu.dma_semaphore, #tpu.memory_space<semaphore_mem>>) src(%arg8 : memref<16x1024xf32, #tpu.memory_space<vmem>>) dst(%dma_wait3A_190 : memref<16x1024xf32, #tpu.memory_space<hbm>>)
      %mul3A_191 = arith.constant 16 : i32
      %mul3A_192 = arith.muli %add3A_186, %mul3A_191 : i32
      %get3A_193 = arith.index_cast %mul3A_192 : i32 to index
      %get3A_194 = tpu.vector_load %arg5[%get3A_193] {strides = array<i32>} : memref<1024xi32, #tpu.memory_space<vmem>>, vector<16xi32>,
      %get3A_195 = vector.shape_cast %get3A_194 : vector<16xi32> to vector<16xi32>
      %max3A_196 = arith.constant 0 : i32
      %max3A_197 = vector.broadcast %max3A_196 : i32 to vector<16xi32>
      %max3A_198 = arith.maxsi %get3A_195, %max3A_197 : vector<16xi32>
      %min3A_199 = arith.constant 8191 : i32
      %min3A_200 = vector.broadcast %min3A_199 : i32 to vector<16xi32>
      %min3A_201 = arith.minsi %max3A_198, %min3A_200 : vector<16xi32>
      %dma_start3A_202 = arith.constant 0 : i32
      %dma_start3A_203 = arith.constant 0 : i32
      %dma_start3A_204 = tpu.memref_slice %arg2[%dma_start3A_202, %dma_start3A_203] : memref<8192x1024xf32, #tpu.memory_space<hbm>> -> memref<8192x1024xf32, #tpu.memory_space<hbm>>
      tpu.enqueue_indirect_dma source(%dma_start3A_204 : memref<8192x1024xf32, #tpu.memory_space<hbm>>) target(%arg8 : memref<16x1024xf32, #tpu.memory_space<vmem>>) offsets(%min3A_201 : vector<16xi32>) semaphore(%arg12 : memref<!tpu.dma_semaphore, #tpu.memory_space<semaphore_mem>>)
      %dma_wait3A_205 = arith.constant 0 : i32
      %dma_wait3A_206 = tpu.memref_slice %arg5[%dma_wait3A_205] : memref<1024xi32, #tpu.memory_space<vmem>> -> memref<16xi32, #tpu.memory_space<vmem>>
      %dma_wait3A_207 = arith.constant 0 : i32
      %dma_wait3A_208 = arith.constant 0 : i32
      %dma_wait3A_209 = tpu.memref_slice %arg2[%dma_wait3A_207, %dma_wait3A_208] : memref<8192x1024xf32, #tpu.memory_space<hbm>> -> memref<8192x1024xf32, #tpu.memory_space<hbm>>
      tpu.wait_indirect_dma semaphore(%arg10 : memref<!tpu.dma_semaphore, #tpu.memory_space<semaphore_mem>>) src(%dma_wait3A_209 : memref<8192x1024xf32, #tpu.memory_space<hbm>>) dst(%arg6 : memref<16x1024xf32, #tpu.memory_space<vmem>>)
      %sub3A_210 = arith.constant 2 : i32
      %sub3A_211 = arith.subi %add3A_186, %sub3A_210 : i32
      %mul3A_212 = arith.constant 16 : i32
      %mul3A_213 = arith.muli %sub3A_211, %mul3A_212 : i32
      %add3A_214 = arith.addi %mul3A_2, %mul3A_213 : i32
      %dma_start3A_215 = arith.constant 0 : i32
      %dma_start3A_216 = tpu.memref_slice %arg4[%add3A_214, %dma_start3A_215] : memref<32768x1024xf32, #tpu.memory_space<hbm>> -> memref<16x1024xf32, #tpu.memory_space<hbm>>
      %dma_start3A_217 = arith.constant 0 : i32
      %dma_start3A_218 = tpu.memref_slice %arg4[%add3A_214, %dma_start3A_217] : memref<32768x1024xf32, #tpu.memory_space<hbm>> -> memref<16x1024xf32, #tpu.memory_space<hbm>>
      tpu.enqueue_dma source(%arg6 : memref<16x1024xf32, #tpu.memory_space<vmem>>) target(%dma_start3A_218 : memref<16x1024xf32, #tpu.memory_space<hbm>>) target_semaphore(%arg14 : memref<!tpu.dma_semaphore, #tpu.memory_space<semaphore_mem>>)
      %mul3A_219 = arith.constant 4 : i32
      %mul3A_220 = arith.muli %scan3A_111, %mul3A_219 : i32
      %add3A_221 = arith.constant 3 : i32
      %add3A_222 = arith.addi %mul3A_220, %add3A_221 : i32
      %dma_wait3A_223 = arith.constant 0 : i32
      %dma_wait3A_224 = tpu.memref_slice %arg4[%mul3A_2, %dma_wait3A_223] : memref<32768x1024xf32, #tpu.memory_space<hbm>> -> memref<16x1024xf32, #tpu.memory_space<hbm>>
      %dma_wait3A_225 = arith.constant 0 : i32
      %dma_wait3A_226 = tpu.memref_slice %arg4[%mul3A_2, %dma_wait3A_225] : memref<32768x1024xf32, #tpu.memory_space<hbm>> -> memref<16x1024xf32, #tpu.memory_space<hbm>>
      tpu.wait_dma2 semaphore(%arg17 : memref<!tpu.dma_semaphore, #tpu.memory_space<semaphore_mem>>) src(%arg9 : memref<16x1024xf32, #tpu.memory_space<vmem>>) dst(%dma_wait3A_226 : memref<16x1024xf32, #tpu.memory_space<hbm>>)
      %mul3A_227 = arith.constant 16 : i32
      %mul3A_228 = arith.muli %add3A_222, %mul3A_227 : i32
      %get3A_229 = arith.index_cast %mul3A_228 : i32 to index
      %get3A_230 = tpu.vector_load %arg5[%get3A_229] {strides = array<i32>} : memref<1024xi32, #tpu.memory_space<vmem>>, vector<16xi32>,
      %get3A_231 = vector.shape_cast %get3A_230 : vector<16xi32> to vector<16xi32>
      %max3A_232 = arith.constant 0 : i32
      %max3A_233 = vector.broadcast %max3A_232 : i32 to vector<16xi32>
      %max3A_234 = arith.maxsi %get3A_231, %max3A_233 : vector<16xi32>
      %min3A_235 = arith.constant 8191 : i32
      %min3A_236 = vector.broadcast %min3A_235 : i32 to vector<16xi32>
      %min3A_237 = arith.minsi %max3A_234, %min3A_236 : vector<16xi32>
      %dma_start3A_238 = arith.constant 0 : i32
      %dma_start3A_239 = arith.constant 0 : i32
      %dma_start3A_240 = tpu.memref_slice %arg2[%dma_start3A_238, %dma_start3A_239] : memref<8192x1024xf32, #tpu.memory_space<hbm>> -> memref<8192x1024xf32, #tpu.memory_space<hbm>>
      tpu.enqueue_indirect_dma source(%dma_start3A_240 : memref<8192x1024xf32, #tpu.memory_space<hbm>>) target(%arg9 : memref<16x1024xf32, #tpu.memory_space<vmem>>) offsets(%min3A_237 : vector<16xi32>) semaphore(%arg13 : memref<!tpu.dma_semaphore, #tpu.memory_space<semaphore_mem>>)
      %dma_wait3A_241 = arith.constant 0 : i32
      %dma_wait3A_242 = tpu.memref_slice %arg5[%dma_wait3A_241] : memref<1024xi32, #tpu.memory_space<vmem>> -> memref<16xi32, #tpu.memory_space<vmem>>
      %dma_wait3A_243 = arith.constant 0 : i32
      %dma_wait3A_244 = arith.constant 0 : i32
      %dma_wait3A_245 = tpu.memref_slice %arg2[%dma_wait3A_243, %dma_wait3A_244] : memref<8192x1024xf32, #tpu.memory_space<hbm>> -> memref<8192x1024xf32, #tpu.memory_space<hbm>>
      tpu.wait_indirect_dma semaphore(%arg11 : memref<!tpu.dma_semaphore, #tpu.memory_space<semaphore_mem>>) src(%dma_wait3A_245 : memref<8192x1024xf32, #tpu.memory_space<hbm>>) dst(%arg7 : memref<16x1024xf32, #tpu.memory_space<vmem>>)
      %sub3A_246 = arith.constant 2 : i32
      %sub3A_247 = arith.subi %add3A_222, %sub3A_246 : i32
      %mul3A_248 = arith.constant 16 : i32
      %mul3A_249 = arith.muli %sub3A_247, %mul3A_248 : i32
      %add3A_250 = arith.addi %mul3A_2, %mul3A_249 : i32
      %dma_start3A_251 = arith.constant 0 : i32
      %dma_start3A_252 = tpu.memref_slice %arg4[%add3A_250, %dma_start3A_251] : memref<32768x1024xf32, #tpu.memory_space<hbm>> -> memref<16x1024xf32, #tpu.memory_space<hbm>>
      %dma_start3A_253 = arith.constant 0 : i32
      %dma_start3A_254 = tpu.memref_slice %arg4[%add3A_250, %dma_start3A_253] : memref<32768x1024xf32, #tpu.memory_space<hbm>> -> memref<16x1024xf32, #tpu.memory_space<hbm>>
      tpu.enqueue_dma source(%arg7 : memref<16x1024xf32, #tpu.memory_space<vmem>>) target(%dma_start3A_254 : memref<16x1024xf32, #tpu.memory_space<hbm>>) target_semaphore(%arg15 : memref<!tpu.dma_semaphore, #tpu.memory_space<semaphore_mem>>)
    }
    %scan3A_72 = arith.constant 15 : i32
    %dma_wait3A_73 = arith.constant 0 : i32
    %dma_wait3A_74 = tpu.memref_slice %arg5[%dma_wait3A_73] : memref<1024xi32, #tpu.memory_space<vmem>> -> memref<16xi32, #tpu.memory_space<vmem>>
    %dma_wait3A_75 = arith.constant 0 : i32
    %dma_wait3A_76 = arith.constant 0 : i32
    %dma_wait3A_77 = tpu.memref_slice %arg2[%dma_wait3A_75, %dma_wait3A_76] : memref<8192x1024xf32, #tpu.memory_space<hbm>> -> memref<8192x1024xf32, #tpu.memory_space<hbm>>
    tpu.wait_indirect_dma semaphore(%arg12 : memref<!tpu.dma_semaphore, #tpu.memory_space<semaphore_mem>>) src(%dma_wait3A_77 : memref<8192x1024xf32, #tpu.memory_space<hbm>>) dst(%arg8 : memref<16x1024xf32, #tpu.memory_space<vmem>>)
    %add3A_78 = arith.constant 992 : i32
    %add3A_79 = arith.addi %mul3A_2, %add3A_78 : i32
    %dma_start3A_80 = arith.constant 0 : i32
    %dma_start3A_81 = tpu.memref_slice %arg4[%add3A_79, %dma_start3A_80] : memref<32768x1024xf32, #tpu.memory_space<hbm>> -> memref<16x1024xf32, #tpu.memory_space<hbm>>
    %dma_start3A_82 = arith.constant 0 : i32
    %dma_start3A_83 = tpu.memref_slice %arg4[%add3A_79, %dma_start3A_82] : memref<32768x1024xf32, #tpu.memory_space<hbm>> -> memref<16x1024xf32, #tpu.memory_space<hbm>>
    tpu.enqueue_dma source(%arg8 : memref<16x1024xf32, #tpu.memory_space<vmem>>) target(%dma_start3A_83 : memref<16x1024xf32, #tpu.memory_space<hbm>>) target_semaphore(%arg16 : memref<!tpu.dma_semaphore, #tpu.memory_space<semaphore_mem>>)
    %dma_wait3A_84 = arith.constant 0 : i32
    %dma_wait3A_85 = tpu.memref_slice %arg5[%dma_wait3A_84] : memref<1024xi32, #tpu.memory_space<vmem>> -> memref<16xi32, #tpu.memory_space<vmem>>
    %dma_wait3A_86 = arith.constant 0 : i32
    %dma_wait3A_87 = arith.constant 0 : i32
    %dma_wait3A_88 = tpu.memref_slice %arg2[%dma_wait3A_86, %dma_wait3A_87] : memref<8192x1024xf32, #tpu.memory_space<hbm>> -> memref<8192x1024xf32, #tpu.memory_space<hbm>>
    tpu.wait_indirect_dma semaphore(%arg13 : memref<!tpu.dma_semaphore, #tpu.memory_space<semaphore_mem>>) src(%dma_wait3A_88 : memref<8192x1024xf32, #tpu.memory_space<hbm>>) dst(%arg9 : memref<16x1024xf32, #tpu.memory_space<vmem>>)
    %add3A_89 = arith.constant 1008 : i32
    %add3A_90 = arith.addi %mul3A_2, %add3A_89 : i32
    %dma_start3A_91 = arith.constant 0 : i32
    %dma_start3A_92 = tpu.memref_slice %arg4[%add3A_90, %dma_start3A_91] : memref<32768x1024xf32, #tpu.memory_space<hbm>> -> memref<16x1024xf32, #tpu.memory_space<hbm>>
    %dma_start3A_93 = arith.constant 0 : i32
    %dma_start3A_94 = tpu.memref_slice %arg4[%add3A_90, %dma_start3A_93] : memref<32768x1024xf32, #tpu.memory_space<hbm>> -> memref<16x1024xf32, #tpu.memory_space<hbm>>
    tpu.enqueue_dma source(%arg9 : memref<16x1024xf32, #tpu.memory_space<vmem>>) target(%dma_start3A_94 : memref<16x1024xf32, #tpu.memory_space<hbm>>) target_semaphore(%arg17 : memref<!tpu.dma_semaphore, #tpu.memory_space<semaphore_mem>>)
    %dma_wait3A_95 = arith.constant 0 : i32
    %dma_wait3A_96 = tpu.memref_slice %arg4[%mul3A_2, %dma_wait3A_95] : memref<32768x1024xf32, #tpu.memory_space<hbm>> -> memref<16x1024xf32, #tpu.memory_space<hbm>>
    %dma_wait3A_97 = arith.constant 0 : i32
    %dma_wait3A_98 = tpu.memref_slice %arg4[%mul3A_2, %dma_wait3A_97] : memref<32768x1024xf32, #tpu.memory_space<hbm>> -> memref<16x1024xf32, #tpu.memory_space<hbm>>
    tpu.wait_dma2 semaphore(%arg14 : memref<!tpu.dma_semaphore, #tpu.memory_space<semaphore_mem>>) src(%arg6 : memref<16x1024xf32, #tpu.memory_space<vmem>>) dst(%dma_wait3A_98 : memref<16x1024xf32, #tpu.memory_space<hbm>>)
    %dma_wait3A_99 = arith.constant 0 : i32
    %dma_wait3A_100 = tpu.memref_slice %arg4[%mul3A_2, %dma_wait3A_99] : memref<32768x1024xf32, #tpu.memory_space<hbm>> -> memref<16x1024xf32, #tpu.memory_space<hbm>>
    %dma_wait3A_101 = arith.constant 0 : i32
    %dma_wait3A_102 = tpu.memref_slice %arg4[%mul3A_2, %dma_wait3A_101] : memref<32768x1024xf32, #tpu.memory_space<hbm>> -> memref<16x1024xf32, #tpu.memory_space<hbm>>
    tpu.wait_dma2 semaphore(%arg15 : memref<!tpu.dma_semaphore, #tpu.memory_space<semaphore_mem>>) src(%arg7 : memref<16x1024xf32, #tpu.memory_space<vmem>>) dst(%dma_wait3A_102 : memref<16x1024xf32, #tpu.memory_space<hbm>>)
    %dma_wait3A_103 = arith.constant 0 : i32
    %dma_wait3A_104 = tpu.memref_slice %arg4[%mul3A_2, %dma_wait3A_103] : memref<32768x1024xf32, #tpu.memory_space<hbm>> -> memref<16x1024xf32, #tpu.memory_space<hbm>>
    %dma_wait3A_105 = arith.constant 0 : i32
    %dma_wait3A_106 = tpu.memref_slice %arg4[%mul3A_2, %dma_wait3A_105] : memref<32768x1024xf32, #tpu.memory_space<hbm>> -> memref<16x1024xf32, #tpu.memory_space<hbm>>
    tpu.wait_dma2 semaphore(%arg16 : memref<!tpu.dma_semaphore, #tpu.memory_space<semaphore_mem>>) src(%arg8 : memref<16x1024xf32, #tpu.memory_space<vmem>>) dst(%dma_wait3A_106 : memref<16x1024xf32, #tpu.memory_space<hbm>>)
    %dma_wait3A_107 = arith.constant 0 : i32
    %dma_wait3A_108 = tpu.memref_slice %arg4[%mul3A_2, %dma_wait3A_107] : memref<32768x1024xf32, #tpu.memory_space<hbm>> -> memref<16x1024xf32, #tpu.memory_space<hbm>>
    %dma_wait3A_109 = arith.constant 0 : i32
    %dma_wait3A_110 = tpu.memref_slice %arg4[%mul3A_2, %dma_wait3A_109] : memref<32768x1024xf32, #tpu.memory_space<hbm>> -> memref<16x1024xf32, #tpu.memory_space<hbm>>
    tpu.wait_dma2 semaphore(%arg17 : memref<!tpu.dma_semaphore, #tpu.memory_space<semaphore_mem>>) src(%arg9 : memref<16x1024xf32, #tpu.memory_space<vmem>>) dst(%dma_wait3A_110 : memref<16x1024xf32, #tpu.memory_space<hbm>>)
    return
  }
}

</mosaic_0001>

<sc_bundles>
// kernel: kernel.3.cloned.1.call-start
scs
__scs_entry_jumppad:
0x0: {  	(pc) =	sbr.rel $0x88, $3  }
0x1: {  	(tag) =	ssettag $0x0;
	lr =	simm.s32 $0x1  }
0x2: {  	[smem:$0x3F9F] =	sst lr;
	_ =	strace $0xD0000000  }
0x3: {  	_ = 	snop  }
0x4: {  	_ = 	snop  }
0x5: {  	_ = 	snop  }
0x6: {  	_ = 	snop  }
0x7: {  	_ = 	snop  }
__scs_overlays_trampoline_lowered:
0x8: {  	[smem:$0x3FAE] =	sst s0  }
0x9: {  	[smem:$0x3FAF] =	sst s1  }
0xa: {  	[smem:$0x3FB0] =	sst s2  }
0xb: {  	[smem:$0x3FB1] =	sst s3  }
0xc: {  	[smem:$0x3FB2] =	sst s4  }
0xd: {  	[smem:$0x3FB3] =	sst s5  }
0xe: {  	[smem:$0x3FB4] =	sst s6  }
0xf: {  	[smem:$0x3FB5] =	sst s7  }
0x10: {  	[smem:$0x3FB6] =	sst s8  }
0x11: {  	[smem:$0x3FB7] =	sst s9;
	s0 =	simm.s32 @!p0 $0x0  }
0x12: {  	s1 =	sld [smem:$0x3F9D];
	s0 =	simm.s32 @p0 $0x1  }
0x13: {  	[smem:$0x3FB8] =	sst s0;
	s0 =	simm.s32 @!p1 $0x0  }
0x14: {  	s2 =	sld [smem:$0x3F9C];
	s0 =	simm.s32 @p1 $0x1  }
0x15: {  	[smem:$0x3FB9] =	sst s0;
	s0 =	simm.s32 @!p2 $0x0  }
0x16: {  	s3 =	sld [smem:$0x3FDB];
	s0 =	simm.s32 @p2 $0x1  }
0x17: {  	s4 =	simm.s32 $0x1BF5;
	[smem:$0x3FBB] =	sst s0  }
0x18: {  	s0 =	sld [smem:$0x3F9E];
	_ =	swait.ge [sflag:s4], $0x0  }
0x19: {  	s7 =	sld [smem:$0x3F9F]  }
0x1a: {  	s8 =	sadd.s32 $0xFFFFE003, lr  }
0x1b: {  	s9 =	sadd.s32 $0xFFFFFEF7, lr;
	s5 =	simm.s32 $0xFFFFFFFF;
	p2 =	slt.u32 s8, $0xFFFFF086  }
0x1c: {  	p1 =	slt.u32 s9, $0xF7A;
	s5 =	simm.s32 @!p2 $0x0  }
0x1d: {  	s5 =	simm.s32 @p1 $0x1;
	p0 =	seq.s32 s7, s2  }
0x1e: {  	s7 =	smul.u32 @!p0 $0xF7A, s2;
	p2 =	seq.s32 @!p0 s5, $0x0  }
0x1f: {  	s9 =	smul.u32 $0xF7A, s1;
	s8 =	simm.s32 @!p0 $0x1BF5;
	p2 =	por !p2, p0  }
0x20: {  	[sflag:s8] =	ssyncset.s32 @!p0 $0xFFFFF086;
	s6 =	sadd.s32 @!p0 s3, s7;
	s7 =	simm.s32 @!p0 $0x108  }
0x21: {  	s3 =	sadd.s32 s3, s9;
	s6 =	sadd.s32 @!p0 $0x88, s6;
	s7 =	simm.s32 @p2 $0x1082  }
0x22: {  	[simem:s7], [sflag:s8] =	dma.local @!p0 [hbm:s6], $0xF7A  }
0x23: {  	s9 =	sor.u32 $0xD0000000, s2;
	s6 =	simm.s32 $0x108;
	_ =	swait.ge @!p0 [sflag:s8], $0x0  }
0x24: {  	s3 =	sadd.s32 $0x88, s3;
	s6 =	simm.s32 @!p1 $0x1082;
	[sflag:s4] =	ssyncset.s32 $0xFFFFF086  }
0x25: {  	[simem:s6], [sflag:s4] =	dma.local [hbm:s3], $0xF7A  }
0x26: {  	[smem:$0x3F9F] =	sst s1;
	(tag) =	ssettag s2;
	_ =	strace s9  }
0x27: {  	s1 =	sld [smem:$0x3FAF]  }
0x28: {  	s2 =	sld [smem:$0x3FB0]  }
0x29: {  	s4 =	sld [smem:$0x3FB2]  }
0x2a: {  	p0 =	seq.s32 s5, $0x0;
	s5 =	sld [smem:$0x3FB3]  }
0x2b: {  	s6 =	sld [smem:$0x3FB4]  }
0x2c: {  	s7 =	sld [smem:$0x3FB5]  }
0x2d: {  	s3 =	simm.s32 $0x108;
	s8 =	sld [smem:$0x3FB6]  }
0x2e: {  	s3 =	simm.s32 @!p0 $0x1082;
	s9 =	sld [smem:$0x3FB7]  }
0x2f: {  	lr =	sadd.s32 s0, s3;
	s0 =	sld [smem:$0x3FAE]  }
0x30: {  	s3 =	sld [smem:$0x3FB1]  }
0x31: {  	[smem:$0x3FBA] =	sst s10  }
0x32: {  	s10 =	sld [smem:$0x3FB8];
	_ =	sdelay $0x3  }
0x33: {  	p0 =	seq.s32 s10, $0x1;
	s10 =	sld [smem:$0x3FBA];
	_ =	sdelay $0x3  }
0x34: {  	[smem:$0x3FBA] =	sst s10  }
0x35: {  	s10 =	sld [smem:$0x3FB9];
	_ =	sdelay $0x3  }
0x36: {  	p1 =	seq.s32 s10, $0x1;
	s10 =	sld [smem:$0x3FBA];
	_ =	sdelay $0x3  }
0x37: {  	[smem:$0x3FBA] =	sst s10  }
0x38: {  	s10 =	sld [smem:$0x3FBB]  }
0x39: {  	_ = 	snop;
	(pc) =	sbr.ind lr, $3  }
0x3a: {  	_ = 	snop  }
0x3b: {  	_ = 	snop  }
0x3c: {  	p2 =	seq.s32 s10, $0x1;
	s10 =	sld [smem:$0x3FBA]  }
0x3d: {  	_ =	shalt  }
0x3e: {  	_ =	shalt  }
0x3f: {  	_ =	shalt  }
0x40: {  	_ =	shalt  }
0x41: {  	_ =	shalt  }
0x42: {  	_ =	shalt  }
0x43: {  	_ =	shalt  }
0x44: {  	_ =	shalt  }
0x45: {  	_ =	shalt  }
0x46: {  	_ =	shalt  }
0x47: {  	_ =	shalt  }
0x48: {  	_ =	shalt  }
0x49: {  	_ =	shalt  }
0x4a: {  	_ =	shalt  }
0x4b: {  	_ =	shalt  }
0x4c: {  	_ =	shalt  }
0x4d: {  	_ =	shalt  }
0x4e: {  	_ =	shalt  }
0x4f: {  	_ =	shalt  }
0x50: {  	_ =	shalt  }
0x51: {  	_ =	shalt  }
0x52: {  	_ =	shalt  }
0x53: {  	_ =	shalt  }
0x54: {  	_ =	shalt  }
0x55: {  	_ =	shalt  }
0x56: {  	_ =	shalt  }
0x57: {  	_ =	shalt  }
0x58: {  	_ =	shalt  }
0x59: {  	_ =	shalt  }
0x5a: {  	_ =	shalt  }
0x5b: {  	_ =	shalt  }
0x5c: {  	_ =	shalt  }
0x5d: {  	_ =	shalt  }
0x5e: {  	_ =	shalt  }
0x5f: {  	_ =	shalt  }
0x60: {  	_ =	shalt  }
0x61: {  	_ =	shalt  }
0x62: {  	_ =	shalt  }
0x63: {  	_ =	shalt  }
0x64: {  	_ =	shalt  }
0x65: {  	_ =	shalt  }
0x66: {  	_ =	shalt  }
0x67: {  	_ =	shalt  }
0x68: {  	_ =	shalt  }
0x69: {  	_ =	shalt  }
0x6a: {  	_ =	shalt  }
0x6b: {  	_ =	shalt  }
0x6c: {  	_ =	shalt  }
0x6d: {  	_ =	shalt  }
0x6e: {  	_ =	shalt  }
0x6f: {  	_ =	shalt  }
0x70: {  	_ =	shalt  }
0x71: {  	_ =	shalt  }
0x72: {  	_ =	shalt  }
0x73: {  	_ =	shalt  }
0x74: {  	_ =	shalt  }
0x75: {  	_ =	shalt  }
0x76: {  	_ =	shalt  }
0x77: {  	_ =	shalt  }
0x78: {  	_ =	shalt  }
0x79: {  	_ =	shalt  }
0x7a: {  	_ =	shalt  }
0x7b: {  	_ =	shalt  }
0x7c: {  	_ =	shalt  }
0x7d: {  	_ =	shalt  }
0x7e: {  	_ =	shalt  }
0x7f: {  	_ =	shalt  }
0x80: {  	_ =	shalt  }
0x81: {  	_ =	shalt  }
0x82: {  	_ =	shalt  }
0x83: {  	_ =	shalt  }
0x84: {  	_ =	shalt  }
0x85: {  	_ =	shalt  }
0x86: {  	_ =	shalt  }
0x87: {  	_ =	shalt  }
.Lfunc_end0:
.L_simem_size_0:
called_computation_lowered:
.L_overlay_start_0:
0x88: {  	s2 =	sld [smem:$0x3FD9]  }
0x89: {  	s3 =	sld [smem:$0x3FFE];
	_ =	sdelay $0x1  }
0x8a: {  	s1 =	srdreg.scid  }
0x8b: {  	s0 =	sand.u32 $0x1, s1  }
0x8c: {  	s17 =	sshll.u32 s0, $0xA;
	s2 =	sadd.s32 s3, s2  }
0x8d: {  	s2 =	sadd.s32 s2, s17  }
0x8e: {  	[smem:$0x3FC6] =	sst s2  }
0x8f: {  	_ = 	snop  }
0x90: {  	s2 =	sld [smem:$0x3FC8]  }
0x91: {  	s18 =	sld [smem:$0x3FD0];
	(tm) =	ssettm $0x1  }
0x92: {  	s4 =	sld [smem:$0x3FFB];
	_ =	sdelay $0x3  }
0x93: {  	_ =	strace s4  }
0x94: {  	s4 =	sld [smem:$0x3FFC];
	_ =	sdelay $0x3  }
0x95: {  	_ =	strace s4  }
0x96: {  	s4 =	sld [smem:$0x3FFD];
	_ =	sdelay $0x3  }
0x97: {  	_ =	strace s4  }
0x98: {  	_ =	strace $0x8FFFFFFF  }
0x99: {  	s19 =	sld [smem:$0x3FDB];
	_ =	sdelay $0x1  }
0x9a: {  	s5 =	simm.s32 $_scs_section_size  }
0x9b: {  	s6 =	simm.s32 $_size__tile_overlayer_lowered;
	s7 =	simm.s32 $_tile_overlayer_lowered  }
0x9c: {  	s22 =	simm.s32 $0x1BFF;
	s21 =	sshll.u32 s7, $0x1;
	s4 =	sadd.s32 s5, s19  }
0x9d: {  	s8 =	simm.s32 $0x0;
	s20 =	sshll.u32 s6, $0x1;
	s6 =	sadd.s32 s21, s4  }
0x9e: {  	[timem:s8], [sflag:s22] =	dma.local [hbm:s6], s20  }
0x9f: {  	_ =	swait.ge [sflag:s22], s20  }
0xa0: {  	s5 =	ssub.s32 $0x0, s20;
	[sflag:s22] =	ssyncset.done $0x0  }
0xa1: {  	[sflag:s22] =	ssyncadd.s32 s5;
	_ =	sdelay $0x1  }
0xa2: {  	s23 =	simm.s32 $0x1B8B  }
0xa3: {  	_ =	swait.ge [sflag:s23], $0x1  }
0xa4: {  	[sflag:s23] =	ssyncset.done $0x0  }
0xa5: {  	s25 =	simm.s32 $0x1B8E;
	s24 =	sld [smem:$0x3FFE];
	[sflag:s23] =	ssyncadd.s32 $0xFFFFFFFF  }
0xa6: {  	s26 =	simm.s32 $execute0_lowered;
	[smem:$0x3FD2] =	sst s25  }
0xa7: {  	s6 =	sshll.u32 s26, $0x1;
	_ =	strace $0x80000046;
	[dreg:$0x1] =	wrdreg $0xFFFFFFFF  }
0xa8: {  	s28 =	simm.s32 $_size_execute0_lowered;
	s4 =	sadd.s32 s4, s6;
	[dreg:$0x0] =	wrdreg $0x0  }
0xa9: {  	s6 =	sshll.u32 s28, $0x1;
	[dreg:$0x2] =	wrdreg s4  }
0xaa: {  	[dreg:$0x3] =	wrdreg s6  }
0xab: {  	[dreg:$0x4] =	wrdreg $0xC0  }
0xac: {  	_ =	task [dreg:s8], $0x5FFFF  }
0xad: {  	[dreg:$0x1] =	wrdreg $0xFFFFFFFF  }
0xae: {  	[dreg:$0x0] =	wrdreg $0x60  }
0xaf: {  	[dreg:$0x2] =	wrdreg s2  }
0xb0: {  	[dreg:$0x3] =	wrdreg s24  }
0xb1: {  	[dreg:$0x4] =	wrdreg s18  }
0xb2: {  	[dreg:$0x5] =	wrdreg $0x9  }
0xb3: {  	_ =	task.clear_ibuf [dreg:s8], $0x6FFFF;
	_ =	strace $0x90000046  }
0xb4: {  	s29 =	simm.s32 $0x9;
	_ =	strace $0x80000048  }
0xb5: {  	_ =	swait.ge [sflag:s29], $0x1  }
0xb6: {  	[sflag:s29] =	ssyncadd.s32 $0xFFFFFFFF  }
0xb7: {  	_ =	strace $0x90000048  }
0xb8: {  	_ =	sfence  }
0xb9: {  	s30 =	sld [smem:$0x0];
	_ =	sdelay $0x2  }
0xba: {  	s31 =	sshll.u32 s1, $0xD;
	s1 =	sshrl.u32 s1, $0x2  }
0xbb: {  	s3 =	sand.u32 $0x4000, s31;
	s1 =	sadd.s32 s1, s30  }
0xbc: {  	s0 =	sor.u32 s3, s0;
	s1 =	sshll.u32 s1, $0x11  }
0xbd: {  	s0 =	sor.u32 s1, s0  }
0xbe: {  	s0 =	sadd.s32 $0x8F2B, s0  }
0xbf: {  	[sflag:s0] =	ssyncadd.remote.s32 $0x1  }
0xc0: {  	_ =	sfence.sel $0xFFFF  }
0xc1: {  	[dreg:$0x0] =	wrdreg $0xFFFFFFFF;
	(pc) =	sbr.abs _section_cstart, $3  }
0xc2: {  	[dreg:$0x1] =	wrdreg $0xFFFFFFFF  }
0xc3: {  	_ =	task.clear_ibuf [dreg:s8], $0x2FFFF;
	_ =	strace $0x9FFFFFFF  }
0xc4: {  	(tm) =	ssettm $0x7FFFFFFF  }
0xc5: {  	_ =	shalt  }
tec
execute0_lowered:
.L_overlay_start_1:
0x0: {  	(tag) =	ssettag $0x1  }
0x1: {  	s2 =	rddreg [dreg:$0x0]  }
0x2: {  	s0 =	rddreg [dreg:$0x1];
	s1 =	srdreg.scid  }
0x3: {  	s4 =	rddreg [dreg:$0x2];
	s10 =	stileid.u32  }
0x4: {  	s3 =	simm.s32 $0x0;
	s31 =	simm.s32 $0x2C00;
	s12 =	simm.s32 $0x3400  }
0x5: {  	s15 =	simm.s32 $0x3C00;
	s16 =	simm.s32 $0x4C00;
	s17 =	simm.s32 $0x5400  }
0x6: {  	s14 =	simm.s32 $0x7400;
	s11 =	simm.s32 $0x8400;
	s13 =	simm.s32 $0xC400  }
0x7: {  	s28 =	simm.s32 $0x4;
	s29 =	simm.s32 $0x7;
	s30 =	simm.s32 $0x8  }
0x8: {  	s1 =	sand.u32 $0x1, s1;
	s5 =	sshll.u32 s10, $0xB;
	[smem:$0x7FF] =	sst s3  }
0x9: {  	s20 =	sshll.u32 s10, $0x12;
	s10 =	simm.s32 $0x2400;
	s6 =	sshll.u32 s1, $0xA  }
0xa: {  	s18 =	ssub.s32 $0x2, s1;
	_ =	strace $0x80000047;
	s22 =	sadd.s32 s20, s4  }
0xb: {  	s1 =	sshll.u32 s1, $0x11;
	s20 =	simm.s32 $0x6C00;
	s8 =	sor.u32 s6, s5  }
0xc: {  	s7 =	sshrl.u32 s18, $0x1;
	s5 =	sadd.s32 $0x100, s2;
	s6 =	sshrl.u32 s8, $0x3  }
0xd: {  	s9 =	ssub.s32 s18, s7;
	s7 =	sadd.s32 $0x300, s2;
	s19 =	sshll.u32 s8, $0x7  }
0xe: {  	s18 =	simm.s32 $0x5C00;
	s8 =	simm.s32 $0x1;
	s0 =	sadd.s32 s6, s0  }
0xf: {  	s6 =	sadd.s32 $0x200, s2;
	s21 =	sadd.s32 s4, s19;
	s26 =	smax.u32 s9, $0x1  }
0x10: {  	s4 =	simm.s32 $0xC00;
	s9 =	simm.s32 $0x1400;
	[dreg:$0x6] =	wrdreg s21  }
0x11: {  	s19 =	simm.s32 $0x6400;
	s0 =	sadd.s32 $0x400, s0;
	[dreg:$0xa] =	wrdreg s26  }
0x12: {  	s23 =	sadd.s32 $0x800, s21;
	s24 =	sadd.s32 $0x1F000, s21;
	[dreg:$0x5] =	wrdreg s0  }
0x13: {  	s25 =	sadd.s32 $0x1F800, s21;
	s21 =	simm.s32 $0x400;
	[dreg:$0x7] =	wrdreg s23  }
0x14: {  	s26 =	simm.s32 $0x6;
	[dreg:$0x8] =	wrdreg s24;
	s0 =	sadd.s32 s1, s22  }
0x15: {  	v2 =	vlaneseq.u32;
	[dreg:$0x9] =	wrdreg s25;
	s1 =	simm.s32 $0x1C00;
	s22 =	simm.s32 $0x4400  }
0x16: {  	vm0 =	vmmov $0xffff;
	v1 =	vshrl.u32 v2, $0x3;
	s23 =	simm.s32 $0x2;
	[dreg:$0x4] =	wrdreg s0;
	s0 =	simm.s32 $0x0  }
0x17: {  	v0 =	vand.u32 $0x7, v2;
	v2 =	vor.u32 $0x8, v2;
	v1 =	vmul.u32 $0x8, v1;
	s24 =	simm.s32 $0x5;
	s25 =	simm.s32 $0x3;
	[dreg:$0xb] =	wrdreg s0  }
.LBB2_1:
0x18: {  	s0 =	rddreg [dreg:$0x5]  }
0x19: {  	[tilespmem:s3], [sflag:$0x9] =	stream.linear.gather [hbm4b:s0+s3], $0x400, $0x38;
	[tilespmem:$0x10400] =	vst v63  }
0x1a: {  	s0 =	simm.s32 $0x9  }
0x1b: {  	_ =	swait.ge [sflag:s0], $0x400  }
0x1c: {  	[sflag:s0] =	ssyncset.done $0x0  }
0x1d: {  	[sflag:s0] =	ssyncadd.s32 $0xFFFFFC00  }
0x1e: {  	v3 =	vld [tilespmem:$0x0];
	_ =	sdelay $0x4  }
0x1f: {  	vm1 =	vgt.s32 v3, $0x0  }
0x20: {  	v3 =	vnsel vm1, $0x0, v3  }
0x21: {  	v3 =	vmin.u32 v3, $0x1FFF  }
0x22: {  	v4 =	vshll.u32 v3, $0x3  }
0x23: {  	v3 =	vand.u32 $0x7, v3;
	v4 =	vand.u32 $0xFFC0, v4  }
0x24: {  	v3 =	vor.u32 v3, v4  }
0x25: {  	v4 =	vperm.xlane v3, v0;
	_ =	sdelay $0x1  }
0x26: {  	v4 =	vadd.s32 v1, v4;
	_ =	sdelay $0x4  }
0x27: {  	[tilespmem:s21], [sflag:$0x1] =	stream.indirect_vreg.gather [hbm4b:s2+s3], $0x80, v4, vm0, $0xb8;
	[tilespmem:$0x10400] =	vst v63  }
0x28: {  	v3 =	vperm.xlane v3, v2  }
0x29: {  	[tilespmem:s4], [sflag:$0x1] =	stream.indirect_vreg.gather [hbm4b:s5+s3], $0x80, v4, vm0, $0xb8;
	[tilespmem:$0x10400] =	vst v63  }
0x2a: {  	v3 =	vadd.s32 v1, v3  }
0x2b: {  	[tilespmem:s9], [sflag:$0x1] =	stream.indirect_vreg.gather [hbm4b:s6+s3], $0x80, v4, vm0, $0xb8;
	[tilespmem:$0x10400] =	vst v63  }
0x2c: {  	_ = 	snop  }
0x2d: {  	[tilespmem:s1], [sflag:$0x1] =	stream.indirect_vreg.gather [hbm4b:s7+s3], $0x80, v4, vm0, $0xb8;
	[tilespmem:$0x10400] =	vst v63  }
0x2e: {  	_ = 	snop  }
0x2f: {  	[tilespmem:s10], [sflag:$0x1] =	stream.indirect_vreg.gather [hbm4b:s2+s3], $0x80, v3, vm0, $0xb8;
	[tilespmem:$0x10400] =	vst v63  }
0x30: {  	_ = 	snop  }
0x31: {  	[tilespmem:s31], [sflag:$0x1] =	stream.indirect_vreg.gather [hbm4b:s5+s3], $0x80, v3, vm0, $0xb8;
	[tilespmem:$0x10400] =	vst v63  }
0x32: {  	_ = 	snop  }
0x33: {  	[tilespmem:s12], [sflag:$0x1] =	stream.indirect_vreg.gather [hbm4b:s6+s3], $0x80, v3, vm0, $0xb8;
	[tilespmem:$0x10400] =	vst v63  }
0x34: {  	_ = 	snop  }
0x35: {  	[tilespmem:s15], [sflag:$0x1] =	stream.indirect_vreg.gather [hbm4b:s7+s3], $0x80, v3, vm0, $0xb8;
	[tilespmem:$0x10400] =	vst v63  }
0x36: {  	v3 =	vld [tilespmem:$0x10];
	_ =	sdelay $0x4  }
0x37: {  	vm1 =	vgt.s32 v3, $0x0  }
0x38: {  	v3 =	vnsel vm1, $0x0, v3  }
0x39: {  	v3 =	vmin.u32 v3, $0x1FFF  }
0x3a: {  	v61 =	vshll.u32 v3, $0x3  }
0x3b: {  	v3 =	vand.u32 $0x7, v3;
	v4 =	vand.u32 $0xFFC0, v61  }
0x3c: {  	v3 =	vor.u32 v3, v4  }
0x3d: {  	v4 =	vperm.xlane v3, v0;
	_ =	sdelay $0x1  }
0x3e: {  	v4 =	vadd.s32 v1, v4;
	_ =	sdelay $0x4  }
0x3f: {  	[tilespmem:s22], [sflag:$0x2] =	stream.indirect_vreg.gather [hbm4b:s2+s3], $0x80, v4, vm0, $0xb8;
	[tilespmem:$0x10400] =	vst v63  }
0x40: {  	v3 =	vperm.xlane v3, v2  }
0x41: {  	[tilespmem:s16], [sflag:$0x2] =	stream.indirect_vreg.gather [hbm4b:s5+s3], $0x80, v4, vm0, $0xb8;
	[tilespmem:$0x10400] =	vst v63  }
0x42: {  	v3 =	vadd.s32 v1, v3  }
0x43: {  	[tilespmem:s17], [sflag:$0x2] =	stream.indirect_vreg.gather [hbm4b:s6+s3], $0x80, v4, vm0, $0xb8;
	[tilespmem:$0x10400] =	vst v63  }
0x44: {  	_ = 	snop  }
0x45: {  	[tilespmem:s18], [sflag:$0x2] =	stream.indirect_vreg.gather [hbm4b:s7+s3], $0x80, v4, vm0, $0xb8;
	[tilespmem:$0x10400] =	vst v63  }
0x46: {  	_ = 	snop  }
0x47: {  	[tilespmem:s19], [sflag:$0x2] =	stream.indirect_vreg.gather [hbm4b:s2+s3], $0x80, v3, vm0, $0xb8;
	[tilespmem:$0x10400] =	vst v63  }
0x48: {  	_ = 	snop  }
0x49: {  	[tilespmem:s20], [sflag:$0x2] =	stream.indirect_vreg.gather [hbm4b:s5+s3], $0x80, v3, vm0, $0xb8;
	[tilespmem:$0x10400] =	vst v63  }
0x4a: {  	_ = 	snop  }
0x4b: {  	[tilespmem:s14], [sflag:$0x2] =	stream.indirect_vreg.gather [hbm4b:s6+s3], $0x80, v3, vm0, $0xb8;
	[tilespmem:$0x10400] =	vst v63  }
0x4c: {  	s16 =	simm.s32 $0x7C00  }
0x4d: {  	[tilespmem:s16], [sflag:$0x2] =	stream.indirect_vreg.gather [hbm4b:s7+s3], $0x80, v3, vm0, $0xb8;
	[tilespmem:$0x10400] =	vst v63  }
0x4e: {  	v3 =	vld [tilespmem:$0x20];
	_ =	sdelay $0x4  }
0x4f: {  	vm1 =	vgt.s32 v3, $0x0  }
0x50: {  	v3 =	vnsel vm1, $0x0, v3  }
0x51: {  	v3 =	vmin.u32 v3, $0x1FFF  }
0x52: {  	v62 =	vshll.u32 v3, $0x3  }
0x53: {  	v3 =	vand.u32 $0x7, v3;
	v4 =	vand.u32 $0xFFC0, v62  }
0x54: {  	v3 =	vor.u32 v3, v4  }
0x55: {  	v4 =	vperm.xlane v3, v0;
	_ =	sdelay $0x1  }
0x56: {  	v4 =	vadd.s32 v1, v4;
	_ =	sdelay $0x4  }
0x57: {  	[tilespmem:s11], [sflag:$0x3] =	stream.indirect_vreg.gather [hbm4b:s2+s3], $0x80, v4, vm0, $0xb8;
	[tilespmem:$0x10400] =	vst v63  }
0x58: {  	s17 =	simm.s32 $0x8C00;
	v3 =	vperm.xlane v3, v2  }
0x59: {  	[tilespmem:s17], [sflag:$0x3] =	stream.indirect_vreg.gather [hbm4b:s5+s3], $0x80, v4, vm0, $0xb8;
	[tilespmem:$0x10400] =	vst v63  }
0x5a: {  	s18 =	simm.s32 $0x9400;
	v3 =	vadd.s32 v1, v3  }
0x5b: {  	[tilespmem:s18], [sflag:$0x3] =	stream.indirect_vreg.gather [hbm4b:s6+s3], $0x80, v4, vm0, $0xb8;
	[tilespmem:$0x10400] =	vst v63  }
0x5c: {  	s19 =	simm.s32 $0x9C00  }
0x5d: {  	[tilespmem:s19], [sflag:$0x3] =	stream.indirect_vreg.gather [hbm4b:s7+s3], $0x80, v4, vm0, $0xb8;
	[tilespmem:$0x10400] =	vst v63  }
0x5e: {  	s20 =	simm.s32 $0xA400  }
0x5f: {  	[tilespmem:s20], [sflag:$0x3] =	stream.indirect_vreg.gather [hbm4b:s2+s3], $0x80, v3, vm0, $0xb8;
	[tilespmem:$0x10400] =	vst v63  }
0x60: {  	s1 =	simm.s32 $0xAC00  }
0x61: {  	[tilespmem:s1], [sflag:$0x3] =	stream.indirect_vreg.gather [hbm4b:s5+s3], $0x80, v3, vm0, $0xb8;
	[tilespmem:$0x10400] =	vst v63  }
0x62: {  	s10 =	simm.s32 $0xB400  }
0x63: {  	[tilespmem:s10], [sflag:$0x3] =	stream.indirect_vreg.gather [hbm4b:s6+s3], $0x80, v3, vm0, $0xb8;
	[tilespmem:$0x10400] =	vst v63  }
0x64: {  	s11 =	simm.s32 $0xBC00  }
0x65: {  	[tilespmem:s11], [sflag:$0x3] =	stream.indirect_vreg.gather [hbm4b:s7+s3], $0x80, v3, vm0, $0xb8;
	[tilespmem:$0x10400] =	vst v63  }
0x66: {  	_ =	swait.ge [sflag:s8], $0x4000  }
0x67: {  	[sflag:s8] =	ssyncset.done $0x0  }
0x68: {  	s12 =	rddreg [dreg:$0x6];
	[sflag:s8] =	ssyncadd.s32 $0xFFFFC000  }
0x69: {  	[hbm4b:s12+s3] =	stream.linear.scatter [tilespmem:s21], [sflag:$0x5], $0x4000, $0x38;
	[tilespmem:$0x10400] =	vst v63  }
0x6a: {  	v3 =	vld [tilespmem:$0x30];
	_ =	sdelay $0x4  }
0x6b: {  	vm1 =	vgt.s32 v3, $0x0  }
0x6c: {  	v3 =	vnsel vm1, $0x0, v3  }
0x6d: {  	v3 =	vmin.u32 v3, $0x1FFF  }
0x6e: {  	v63 =	vshll.u32 v3, $0x3  }
0x6f: {  	v3 =	vand.u32 $0x7, v3;
	v4 =	vand.u32 $0xFFC0, v63  }
0x70: {  	v3 =	vor.u32 v3, v4  }
0x71: {  	v4 =	vperm.xlane v3, v0;
	_ =	sdelay $0x1  }
0x72: {  	v4 =	vadd.s32 v1, v4;
	_ =	sdelay $0x4  }
0x73: {  	[tilespmem:s13], [sflag:$0x4] =	stream.indirect_vreg.gather [hbm4b:s2+s3], $0x80, v4, vm0, $0xb8;
	[tilespmem:$0x10400] =	vst v63  }
0x74: {  	s14 =	simm.s32 $0xCC00;
	v3 =	vperm.xlane v3, v2  }
0x75: {  	[tilespmem:s14], [sflag:$0x4] =	stream.indirect_vreg.gather [hbm4b:s5+s3], $0x80, v4, vm0, $0xb8;
	[tilespmem:$0x10400] =	vst v63  }
0x76: {  	s15 =	simm.s32 $0xD400;
	v3 =	vadd.s32 v1, v3  }
0x77: {  	[tilespmem:s15], [sflag:$0x4] =	stream.indirect_vreg.gather [hbm4b:s6+s3], $0x80, v4, vm0, $0xb8;
	[tilespmem:$0x10400] =	vst v63  }
0x78: {  	s16 =	simm.s32 $0xDC00  }
0x79: {  	[tilespmem:s16], [sflag:$0x4] =	stream.indirect_vreg.gather [hbm4b:s7+s3], $0x80, v4, vm0, $0xb8;
	[tilespmem:$0x10400] =	vst v63  }
0x7a: {  	s17 =	simm.s32 $0xE400  }
0x7b: {  	[tilespmem:s17], [sflag:$0x4] =	stream.indirect_vreg.gather [hbm4b:s2+s3], $0x80, v3, vm0, $0xb8;
	[tilespmem:$0x10400] =	vst v63  }
0x7c: {  	s0 =	simm.s32 $0x70;
	s18 =	simm.s32 $0xEC00  }
0x7d: {  	[tilespmem:s18], [sflag:$0x4] =	stream.indirect_vreg.gather [hbm4b:s5+s3], $0x80, v3, vm0, $0xb8;
	[tilespmem:$0x10400] =	vst v63  }
0x7e: {  	s31 =	simm.s32 $0x4400;
	s19 =	simm.s32 $0xF400;
	s20 =	simm.s32 $0xFC00  }
0x7f: {  	[tilespmem:s19], [sflag:$0x4] =	stream.indirect_vreg.gather [hbm4b:s6+s3], $0x80, v3, vm0, $0xb8;
	[tilespmem:$0x10400] =	vst v63  }
0x80: {  	s1 =	simm.s32 $0x0;
	s10 =	simm.s32 $0x1C00;
	s12 =	simm.s32 $0x2C00  }
0x81: {  	[tilespmem:s20], [sflag:$0x4] =	stream.indirect_vreg.gather [hbm4b:s7+s3], $0x80, v3, vm0, $0xb8;
	[tilespmem:$0x10400] =	vst v63  }
0x82: {  	s14 =	simm.s32 $0x7400;
	s16 =	simm.s32 $0x3C00;
	_ =	swait.ge [sflag:s23], $0x4000  }
0x83: {  	s17 =	simm.s32 $0x4C00;
	s18 =	simm.s32 $0x5400;
	[sflag:s23] =	ssyncset.done $0x0  }
0x84: {  	s19 =	simm.s32 $0x5C00;
	s21 =	rddreg [dreg:$0x7];
	[sflag:s23] =	ssyncadd.s32 $0xFFFFC000  }
0x85: {  	[hbm4b:s21+s3] =	stream.linear.scatter [tilespmem:s22], [sflag:$0x6], $0x4000, $0x38;
	[tilespmem:$0x10400] =	vst v63  }
0x86: {  	s20 =	simm.s32 $0x6400;
	s22 =	simm.s32 $0x400;
	s21 =	simm.s32 $0x6C00  }
.LBB2_2:
0x87: {  	_ =	swait.ge [sflag:s24], $0x4000  }
0x88: {  	[sflag:s24] =	ssyncset.done $0x0  }
0x89: {  	[sflag:s24] =	ssyncadd.s32 $0xFFFFC000  }
0x8a: {  	v3 =	vld [tilespmem:s0+$0xFFFFFFD0];
	_ =	sdelay $0x4  }
0x8b: {  	vm1 =	vgt.s32 v3, $0x0  }
0x8c: {  	v3 =	vnsel vm1, $0x0, v3  }
0x8d: {  	v3 =	vmin.u32 v3, $0x1FFF  }
0x8e: {  	v4 =	vshll.u32 v3, $0x3  }
0x8f: {  	v3 =	vand.u32 $0x7, v3;
	v4 =	vand.u32 $0xFFC0, v4  }
0x90: {  	v3 =	vor.u32 v3, v4  }
0x91: {  	v4 =	vperm.xlane v3, v0;
	_ =	sdelay $0x1  }
0x92: {  	v4 =	vadd.s32 v1, v4;
	_ =	sdelay $0x4  }
0x93: {  	[tilespmem:s22], [sflag:$0x1] =	stream.indirect_vreg.gather [hbm4b:s2+s3], $0x80, v4, vm0, $0xb8;
	[tilespmem:$0x10400] =	vst v63  }
0x94: {  	v3 =	vperm.xlane v3, v2  }
0x95: {  	[tilespmem:s4], [sflag:$0x1] =	stream.indirect_vreg.gather [hbm4b:s5+s3], $0x80, v4, vm0, $0xb8;
	[tilespmem:$0x10400] =	vst v63  }
0x96: {  	v3 =	vadd.s32 v1, v3  }
0x97: {  	[tilespmem:s9], [sflag:$0x1] =	stream.indirect_vreg.gather [hbm4b:s6+s3], $0x80, v4, vm0, $0xb8;
	[tilespmem:$0x10400] =	vst v63  }
0x98: {  	_ = 	snop  }
0x99: {  	[tilespmem:s10], [sflag:$0x1] =	stream.indirect_vreg.gather [hbm4b:s7+s3], $0x80, v4, vm0, $0xb8;
	[tilespmem:$0x10400] =	vst v63  }
0x9a: {  	s11 =	simm.s32 $0x2400  }
0x9b: {  	[tilespmem:s11], [sflag:$0x1] =	stream.indirect_vreg.gather [hbm4b:s2+s3], $0x80, v3, vm0, $0xb8;
	[tilespmem:$0x10400] =	vst v63  }
0x9c: {  	_ = 	snop  }
0x9d: {  	[tilespmem:s12], [sflag:$0x1] =	stream.indirect_vreg.gather [hbm4b:s5+s3], $0x80, v3, vm0, $0xb8;
	[tilespmem:$0x10400] =	vst v63  }
0x9e: {  	s15 =	simm.s32 $0x3400  }
0x9f: {  	[tilespmem:s15], [sflag:$0x1] =	stream.indirect_vreg.gather [hbm4b:s6+s3], $0x80, v3, vm0, $0xb8;
	[tilespmem:$0x10400] =	vst v63  }
0xa0: {  	_ = 	snop  }
0xa1: {  	[tilespmem:s16], [sflag:$0x1] =	stream.indirect_vreg.gather [hbm4b:s7+s3], $0x80, v3, vm0, $0xb8;
	[tilespmem:$0x10400] =	vst v63  }
0xa2: {  	_ =	swait.ge [sflag:s25], $0x4000  }
0xa3: {  	s9 =	rddreg [dreg:$0x4]  }
0xa4: {  	[sflag:s25] =	ssyncset.done $0x0;
	s4 =	sadd.s32 s1, s9  }
0xa5: {  	s15 =	simm.s32 $0x8400;
	[sflag:s25] =	ssyncadd.s32 $0xFFFFC000;
	s11 =	sadd.s32 $0x1000, s4  }
0xa6: {  	[hbm4b:s11+s3] =	stream.linear.scatter [tilespmem:s15], [sflag:$0x7], $0x4000, $0x38;
	[tilespmem:$0x10400] =	vst v63  }
0xa7: {  	_ =	swait.ge [sflag:s26], $0x4000  }
0xa8: {  	[sflag:s26] =	ssyncset.done $0x0  }
0xa9: {  	[sflag:s26] =	ssyncadd.s32 $0xFFFFC000  }
0xaa: {  	v3 =	vld [tilespmem:s0+$0xFFFFFFE0];
	_ =	sdelay $0x4  }
0xab: {  	vm1 =	vgt.s32 v3, $0x0  }
0xac: {  	v3 =	vnsel vm1, $0x0, v3  }
0xad: {  	v3 =	vmin.u32 v3, $0x1FFF  }
0xae: {  	v61 =	vshll.u32 v3, $0x3  }
0xaf: {  	v3 =	vand.u32 $0x7, v3;
	v4 =	vand.u32 $0xFFC0, v61  }
0xb0: {  	v3 =	vor.u32 v3, v4  }
0xb1: {  	v4 =	vperm.xlane v3, v0;
	_ =	sdelay $0x1  }
0xb2: {  	v4 =	vadd.s32 v1, v4;
	_ =	sdelay $0x4  }
0xb3: {  	[tilespmem:s31], [sflag:$0x2] =	stream.indirect_vreg.gather [hbm4b:s2+s3], $0x80, v4, vm0, $0xb8;
	[tilespmem:$0x10400] =	vst v63  }
0xb4: {  	v3 =	vperm.xlane v3, v2  }
0xb5: {  	[tilespmem:s17], [sflag:$0x2] =	stream.indirect_vreg.gather [hbm4b:s5+s3], $0x80, v4, vm0, $0xb8;
	[tilespmem:$0x10400] =	vst v63  }
0xb6: {  	v3 =	vadd.s32 v1, v3  }
0xb7: {  	[tilespmem:s18], [sflag:$0x2] =	stream.indirect_vreg.gather [hbm4b:s6+s3], $0x80, v4, vm0, $0xb8;
	[tilespmem:$0x10400] =	vst v63  }
0xb8: {  	_ = 	snop  }
0xb9: {  	[tilespmem:s19], [sflag:$0x2] =	stream.indirect_vreg.gather [hbm4b:s7+s3], $0x80, v4, vm0, $0xb8;
	[tilespmem:$0x10400] =	vst v63  }
0xba: {  	_ = 	snop  }
0xbb: {  	[tilespmem:s20], [sflag:$0x2] =	stream.indirect_vreg.gather [hbm4b:s2+s3], $0x80, v3, vm0, $0xb8;
	[tilespmem:$0x10400] =	vst v63  }
0xbc: {  	_ = 	snop  }
0xbd: {  	[tilespmem:s21], [sflag:$0x2] =	stream.indirect_vreg.gather [hbm4b:s5+s3], $0x80, v3, vm0, $0xb8;
	[tilespmem:$0x10400] =	vst v63  }
0xbe: {  	_ = 	snop  }
0xbf: {  	[tilespmem:s14], [sflag:$0x2] =	stream.indirect_vreg.gather [hbm4b:s6+s3], $0x80, v3, vm0, $0xb8;
	[tilespmem:$0x10400] =	vst v63  }
0xc0: {  	s11 =	simm.s32 $0x7C00  }
0xc1: {  	[tilespmem:s11], [sflag:$0x2] =	stream.indirect_vreg.gather [hbm4b:s7+s3], $0x80, v3, vm0, $0xb8;
	[tilespmem:$0x10400] =	vst v63  }
0xc2: {  	_ =	swait.ge [sflag:s28], $0x4000  }
0xc3: {  	[sflag:s28] =	ssyncset.done $0x0  }
0xc4: {  	s11 =	sadd.s32 $0x1800, s4;
	[sflag:s28] =	ssyncadd.s32 $0xFFFFC000  }
0xc5: {  	[hbm4b:s11+s3] =	stream.linear.scatter [tilespmem:s13], [sflag:$0x8], $0x4000, $0x38;
	[tilespmem:$0x10400] =	vst v63  }
0xc6: {  	_ =	swait.ge [sflag:s29], $0x4000  }
0xc7: {  	[sflag:s29] =	ssyncset.done $0x0  }
0xc8: {  	[sflag:s29] =	ssyncadd.s32 $0xFFFFC000  }
0xc9: {  	v3 =	vld [tilespmem:s0+$0xFFFFFFF0];
	_ =	sdelay $0x4  }
0xca: {  	vm1 =	vgt.s32 v3, $0x0  }
0xcb: {  	v3 =	vnsel vm1, $0x0, v3  }
0xcc: {  	v3 =	vmin.u32 v3, $0x1FFF  }
0xcd: {  	v62 =	vshll.u32 v3, $0x3  }
0xce: {  	v3 =	vand.u32 $0x7, v3;
	v4 =	vand.u32 $0xFFC0, v62  }
0xcf: {  	v3 =	vor.u32 v3, v4  }
0xd0: {  	v4 =	vperm.xlane v3, v0;
	_ =	sdelay $0x1  }
0xd1: {  	v4 =	vadd.s32 v1, v4;
	_ =	sdelay $0x4  }
0xd2: {  	[tilespmem:s15], [sflag:$0x3] =	stream.indirect_vreg.gather [hbm4b:s2+s3], $0x80, v4, vm0, $0xb8;
	[tilespmem:$0x10400] =	vst v63  }
0xd3: {  	v3 =	vperm.xlane v3, v2;
	s15 =	simm.s32 $0x8C00  }
0xd4: {  	[tilespmem:s15], [sflag:$0x3] =	stream.indirect_vreg.gather [hbm4b:s5+s3], $0x80, v4, vm0, $0xb8;
	[tilespmem:$0x10400] =	vst v63  }
0xd5: {  	v3 =	vadd.s32 v1, v3;
	s15 =	simm.s32 $0x9400  }
0xd6: {  	[tilespmem:s15], [sflag:$0x3] =	stream.indirect_vreg.gather [hbm4b:s6+s3], $0x80, v4, vm0, $0xb8;
	[tilespmem:$0x10400] =	vst v63  }
0xd7: {  	s15 =	simm.s32 $0x9C00  }
0xd8: {  	[tilespmem:s15], [sflag:$0x3] =	stream.indirect_vreg.gather [hbm4b:s7+s3], $0x80, v4, vm0, $0xb8;
	[tilespmem:$0x10400] =	vst v63  }
0xd9: {  	s15 =	simm.s32 $0xA400  }
0xda: {  	[tilespmem:s15], [sflag:$0x3] =	stream.indirect_vreg.gather [hbm4b:s2+s3], $0x80, v3, vm0, $0xb8;
	[tilespmem:$0x10400] =	vst v63  }
0xdb: {  	s15 =	simm.s32 $0xAC00  }
0xdc: {  	[tilespmem:s15], [sflag:$0x3] =	stream.indirect_vreg.gather [hbm4b:s5+s3], $0x80, v3, vm0, $0xb8;
	[tilespmem:$0x10400] =	vst v63  }
0xdd: {  	s15 =	simm.s32 $0xB400  }
0xde: {  	[tilespmem:s15], [sflag:$0x3] =	stream.indirect_vreg.gather [hbm4b:s6+s3], $0x80, v3, vm0, $0xb8;
	[tilespmem:$0x10400] =	vst v63  }
0xdf: {  	s15 =	simm.s32 $0xBC00  }
0xe0: {  	[tilespmem:s15], [sflag:$0x3] =	stream.indirect_vreg.gather [hbm4b:s7+s3], $0x80, v3, vm0, $0xb8;
	[tilespmem:$0x10400] =	vst v63  }
0xe1: {  	_ =	swait.ge [sflag:s8], $0x4000  }
0xe2: {  	[sflag:s8] =	ssyncset.done $0x0  }
0xe3: {  	s15 =	sadd.s32 $0x2000, s4;
	[sflag:s8] =	ssyncadd.s32 $0xFFFFC000  }
0xe4: {  	[hbm4b:s15+s3] =	stream.linear.scatter [tilespmem:s22], [sflag:$0x5], $0x4000, $0x38;
	[tilespmem:$0x10400] =	vst v63  }
0xe5: {  	_ =	swait.ge [sflag:s30], $0x4000  }
0xe6: {  	[sflag:s30] =	ssyncset.done $0x0  }
0xe7: {  	[sflag:s30] =	ssyncadd.s32 $0xFFFFC000  }
0xe8: {  	v3 =	vld [tilespmem:s0+$0x0];
	_ =	sdelay $0x4  }
0xe9: {  	vm1 =	vgt.s32 v3, $0x0  }
0xea: {  	v3 =	vnsel vm1, $0x0, v3  }
0xeb: {  	v3 =	vmin.u32 v3, $0x1FFF  }
0xec: {  	v63 =	vshll.u32 v3, $0x3  }
0xed: {  	v3 =	vand.u32 $0x7, v3;
	v4 =	vand.u32 $0xFFC0, v63  }
0xee: {  	v3 =	vor.u32 v3, v4  }
0xef: {  	v4 =	vperm.xlane v3, v0;
	_ =	sdelay $0x1  }
0xf0: {  	v4 =	vadd.s32 v1, v4;
	_ =	sdelay $0x4  }
0xf1: {  	[tilespmem:s13], [sflag:$0x4] =	stream.indirect_vreg.gather [hbm4b:s2+s3], $0x80, v4, vm0, $0xb8;
	[tilespmem:$0x10400] =	vst v63  }
0xf2: {  	s15 =	simm.s32 $0xCC00;
	v3 =	vperm.xlane v3, v2  }
0xf3: {  	[tilespmem:s15], [sflag:$0x4] =	stream.indirect_vreg.gather [hbm4b:s5+s3], $0x80, v4, vm0, $0xb8;
	[tilespmem:$0x10400] =	vst v63  }
0xf4: {  	v3 =	vadd.s32 v1, v3;
	s15 =	simm.s32 $0xD400  }
0xf5: {  	[tilespmem:s15], [sflag:$0x4] =	stream.indirect_vreg.gather [hbm4b:s6+s3], $0x80, v4, vm0, $0xb8;
	[tilespmem:$0x10400] =	vst v63  }
0xf6: {  	s15 =	simm.s32 $0xDC00  }
0xf7: {  	[tilespmem:s15], [sflag:$0x4] =	stream.indirect_vreg.gather [hbm4b:s7+s3], $0x80, v4, vm0, $0xb8;
	[tilespmem:$0x10400] =	vst v63  }
0xf8: {  	s15 =	simm.s32 $0xE400  }
0xf9: {  	[tilespmem:s15], [sflag:$0x4] =	stream.indirect_vreg.gather [hbm4b:s2+s3], $0x80, v3, vm0, $0xb8;
	[tilespmem:$0x10400] =	vst v63  }
0xfa: {  	s15 =	simm.s32 $0xEC00  }
0xfb: {  	[tilespmem:s15], [sflag:$0x4] =	stream.indirect_vreg.gather [hbm4b:s5+s3], $0x80, v3, vm0, $0xb8;
	[tilespmem:$0x10400] =	vst v63  }
0xfc: {  	s15 =	simm.s32 $0xF400  }
0xfd: {  	[tilespmem:s15], [sflag:$0x4] =	stream.indirect_vreg.gather [hbm4b:s6+s3], $0x80, v3, vm0, $0xb8;
	[tilespmem:$0x10400] =	vst v63  }
0xfe: {  	p0 =	sne.s32 s1, $0x1C000;
	s15 =	simm.s32 $0xFC00  }
0xff: {  	[tilespmem:s15], [sflag:$0x4] =	stream.indirect_vreg.gather [hbm4b:s7+s3], $0x80, v3, vm0, $0xb8;
	[tilespmem:$0x10400] =	vst v63  }
.Ltmp0:
0x100: {  	_ =	swait.ge [sflag:s23], $0x4000;
	(pc) =	sbr.rel @p0 .LBB2_2-.Ltmp0, $4  }
0x101: {  	s9 =	simm.s32 $0x1400;
	[sflag:s23] =	ssyncset.done $0x0  }
0x102: {  	s1 =	sadd.s32 $0x2000, s1;
	s4 =	sadd.s32 $0x2800, s4;
	[sflag:s23] =	ssyncadd.s32 $0xFFFFC000  }
0x103: {  	[hbm4b:s4+s3] =	stream.linear.scatter [tilespmem:s31], [sflag:$0x6], $0x4000, $0x38;
	[tilespmem:$0x10400] =	vst v63  }
0x104: {  	s11 =	simm.s32 $0x8400;
	s0 =	sadd.s32 $0x40, s0;
	s4 =	simm.s32 $0xC00  }
0x105: {  	_ =	swait.ge [sflag:s25], $0x4000  }
0x106: {  	[sflag:s25] =	ssyncset.done $0x0  }
0x107: {  	s0 =	rddreg [dreg:$0x8];
	[sflag:s25] =	ssyncadd.s32 $0xFFFFC000  }
0x108: {  	[hbm4b:s0+s3] =	stream.linear.scatter [tilespmem:s11], [sflag:$0x7], $0x4000, $0x38;
	[tilespmem:$0x10400] =	vst v63  }
0x109: {  	_ =	swait.ge [sflag:s28], $0x4000  }
0x10a: {  	[sflag:s28] =	ssyncset.done $0x0  }
0x10b: {  	s21 =	rddreg [dreg:$0x9];
	[sflag:s28] =	ssyncadd.s32 $0xFFFFC000  }
0x10c: {  	[hbm4b:s21+s3] =	stream.linear.scatter [tilespmem:s13], [sflag:$0x8], $0x4000, $0x38;
	[tilespmem:$0x10400] =	vst v63  }
0x10d: {  	_ =	swait.ge [sflag:s24], $0x4000  }
0x10e: {  	[sflag:s24] =	ssyncset.done $0x0  }
0x10f: {  	[sflag:s24] =	ssyncadd.s32 $0xFFFFC000  }
0x110: {  	_ =	swait.ge [sflag:s26], $0x4000  }
0x111: {  	[sflag:s26] =	ssyncset.done $0x0  }
0x112: {  	[sflag:s26] =	ssyncadd.s32 $0xFFFFC000  }
0x113: {  	_ =	swait.ge [sflag:s29], $0x4000  }
0x114: {  	[sflag:s29] =	ssyncset.done $0x0  }
0x115: {  	[sflag:s29] =	ssyncadd.s32 $0xFFFFC000  }
0x116: {  	_ =	swait.ge [sflag:s30], $0x4000  }
0x117: {  	s1 =	rddreg [dreg:$0xb]  }
0x118: {  	s22 =	rddreg [dreg:$0xa];
	s1 =	sadd.s32 $0x1, s1  }
0x119: {  	s10 =	simm.s32 $0x2400;
	s31 =	simm.s32 $0x2C00;
	p0 =	sne.s32 s1, s22  }
.Ltmp1:
0x11a: {  	s12 =	simm.s32 $0x3400;
	s15 =	simm.s32 $0x3C00;
	(pc) =	sbr.rel @p0 .LBB2_1-.Ltmp1, $4  }
0x11b: {  	s16 =	simm.s32 $0x4C00;
	s17 =	simm.s32 $0x5400;
	s18 =	simm.s32 $0x5C00  }
0x11c: {  	s19 =	simm.s32 $0x6400;
	s20 =	simm.s32 $0x6C00;
	[sflag:s30] =	ssyncset.done $0x0  }
0x11d: {  	s14 =	simm.s32 $0x7400;
	s21 =	simm.s32 $0x400;
	[sflag:s30] =	ssyncadd.s32 $0xFFFFC000  }
0x11e: {  	[dreg:$0xb] =	wrdreg s1;
	s1 =	simm.s32 $0x1C00;
	s22 =	simm.s32 $0x4400  }
0x11f: {  	_ =	sfence.sel $0x180000  }
0x120: {  	[bflag:$0x0] =	sbarrier.arrive $0xFFFF  }
0x121: {  	_ =	strace $0x90000047  }
0x122: {  	s0 =	stileid.u32;
	[bflag:$0x2] =	sbarrier.arrive $0xFFFF  }
0x123: {  	p0 =	sne.s32 s0, $0x0;
	s0 =	rddreg [dreg:$0x3]  }
0x124: {  	s0 =	sadd.s32 @!p0 $0x100000, s0  }
0x125: {  	[sflag:s0] =	ssyncadd.tile.s32 @!p0 $0x1;
	_ =	shalt  }
.Lfunc_end2:
_tile_overlayer_lowered:
.L_overlay_start_2:
0x126: {  	(tag) =	ssettag $0x2  }
0x127: {  	s0 =	rddreg [dreg:$0x0];
	s2 =	stileid.u32  }
0x128: {  	s1 =	rddreg [dreg:$0x1];
	p0 =	sne.s32 s2, $0x0  }
0x129: {  	s3 =	rddreg [dreg:$0x2];
	[bflag:$0x3] =	sbarrier.arrive $0xFFFF;
	s2 =	simm.s32 @!p0 $0x1C09  }
0x12a: {  	[timem:s3], [sflag:s2] =	dma.local @!p0 [hbm:s0], s1  }
0x12b: {  	s0 =	simm.s32 @!p0 $0x9  }
0x12c: {  	_ =	swait.ge @!p0 [sflag:s0], s1  }
0x12d: {  	s1 =	ssub.s32 @!p0 $0x0, s1;
	[sflag:s0] =	ssyncset.done @!p0 $0x0  }
0x12e: {  	[sflag:s0] =	ssyncadd.s32 @!p0 s1  }
0x12f: {  	[bflag:$0x3] =	sbarrier.arrive $0xFFFF  }
0x130: {  	_ =	shalt  }

</sc_bundles>
